<compile_context>
chip_gen: v7x
topology: tpu7x:2x2x1
jax: 0.10.2.dev20260603
libtpu: 0.0.44.dev20260713+nightly
codegen_flags: <defaults>
</compile_context>

<pallas_src>
import functools

import jax
import jax.numpy as jnp
from jax import lax
from jax.experimental import pallas as pl
from jax.experimental.pallas import tpu as pltpu
from jax.experimental.pallas import tpu_sc as plsc

_NC = 2
_NS = 16
_NW = _NC * _NS
_BM = 1024


def _mesh():
    return plsc.VectorSubcoreMesh(core_axis_name="c", subcore_axis_name="s")


def _make_deg(npad, ep):
    nrow = npad // 128

    @functools.partial(
        pl.kernel,
        out_type=jax.ShapeDtypeStruct((2, _NW, nrow, 128), jnp.float32),
        mesh=_mesh(),
        compiler_params=pltpu.CompilerParams(needs_layout_passes=False),
        scratch_types=[
            pltpu.VMEM((ep,), jnp.int32),
            pltpu.VMEM((ep,), jnp.int32),
            pltpu.VMEM((nrow, 128), jnp.float32),
            pltpu.VMEM((nrow, 128), jnp.float32),
        ],
    )
    def deg_kernel(src_hbm, dst_hbm, out_hbm, src_v, dst_v, ho_v, hi_v):
        c = lax.axis_index("c")
        s = lax.axis_index("s")
        wid = s * _NC + c
        pltpu.sync_copy(src_hbm.at[wid], src_v)
        pltpu.sync_copy(dst_hbm.at[wid], dst_v)
        zeros = jnp.zeros((16,), jnp.float32)

        def zbody(r, carry):
            for j in range(8):
                ho_v[r, pl.ds(j * 16, 16)] = zeros
                hi_v[r, pl.ds(j * 16, 16)] = zeros
            return carry

        lax.fori_loop(0, nrow, zbody, 0)
        ones = jnp.ones((16,), jnp.float32)

        def body(i, carry):
            iv = src_v[pl.ds(i * 16, 16)]
            plsc.addupdate_scatter(
                ho_v, [lax.shift_right_logical(iv, 7),
                       lax.bitwise_and(iv, 127)], ones)
            jv = dst_v[pl.ds(i * 16, 16)]
            plsc.addupdate_scatter(
                hi_v, [lax.shift_right_logical(jv, 7),
                       lax.bitwise_and(jv, 127)], ones)
            return carry

        lax.fori_loop(0, ep // 16, body, 0)
        pltpu.sync_copy(ho_v, out_hbm.at[0, wid])
        pltpu.sync_copy(hi_v, out_hbm.at[1, wid])

    return deg_kernel


def _make_agg(npad, h, nch, ch):
    rp = npad // _NS

    @functools.partial(
        pl.kernel,
        out_type=jax.ShapeDtypeStruct((_NC, npad, h), jnp.float32),
        mesh=_mesh(),
        scratch_types=[
            pltpu.VMEM((nch * ch,), jnp.int32),
            pltpu.VMEM((nch, ch), jnp.int32),
            pltpu.VMEM((ch, h), jnp.float32),
            pltpu.VMEM((ch, h), jnp.float32),
            pltpu.VMEM_SHARED((npad, h), jnp.float32),
            pltpu.SemaphoreType.DMA,
            pltpu.SemaphoreType.DMA,
            pltpu.SemaphoreType.DMA,
        ],
    )
    def agg_kernel(g_hbm, srcf_hbm, dst_hbm, zeros_hbm, out_hbm,
                   src_v, dst_v, rows0_v, rows1_v, acc_sh, sem0, sem1, sems):
        c = lax.axis_index("c")
        s = lax.axis_index("s")
        wid = s * _NC + c
        pltpu.sync_copy(srcf_hbm.at[wid], src_v)
        pltpu.sync_copy(dst_hbm.at[wid], dst_v)
        pltpu.sync_copy(zeros_hbm, acc_sh.at[pl.ds(s * rp, rp)])
        plsc.subcore_barrier()

        def body(j, carry):
            i0 = j * 2
            d0 = pltpu.async_copy(
                g_hbm.at[src_v.at[pl.ds(i0 * ch, ch)]], rows0_v, sem0)
            d1 = pltpu.async_copy(
                g_hbm.at[src_v.at[pl.ds((i0 + 1) * ch, ch)]], rows1_v, sem1)
            d0.wait()
            s0 = pltpu.async_copy(rows0_v, acc_sh.at[dst_v.at[i0]], sems,
                                  add=True)
            d1.wait()
            pltpu.sync_copy(rows1_v, acc_sh.at[dst_v.at[i0 + 1]], add=True)
            s0.wait()
            return carry

        lax.fori_loop(0, nch // 2, body, 0)
        if nch % 2:
            i = nch - 1
            pltpu.async_copy(
                g_hbm.at[src_v.at[pl.ds(i * ch, ch)]], rows0_v, sem0).wait()
            pltpu.sync_copy(rows0_v, acc_sh.at[dst_v.at[i]], add=True)
        plsc.subcore_barrier()
        sl = pl.ds(s * rp, rp)
        pltpu.sync_copy(acc_sh.at[sl], out_hbm.at[c, sl])

    return agg_kernel


def _cols_from_rows(mat):
    eye = (lax.broadcasted_iota(jnp.int32, (128, 128), 0) ==
           lax.broadcasted_iota(jnp.int32, (128, 128), 1)).astype(jnp.float32)
    chunks = [
        jnp.sum(jnp.broadcast_to(mat[r:r + 1, :], (128, 128)) * eye,
                axis=1, keepdims=True)
        for r in range(mat.shape[0])
    ]
    return jnp.concatenate(chunks, axis=0)


def _scale_col(deg_rows):
    col = _cols_from_rows(deg_rows)
    return jnp.where(col > 0, lax.rsqrt(col), 0.0)


def _lin_body(x_ref, w_ref, b_ref, degh_ref, o_ref):
    hmat = jnp.dot(x_ref[...], w_ref[...],
                   preferred_element_type=jnp.float32) + b_ref[...]
    d = jnp.sum(degh_ref[...], axis=1)
    o_ref[...] = hmat * _scale_col(d[0])


def _make_lin(n, d, h):
    return pl.pallas_call(
        _lin_body,
        grid=(pl.cdiv(n, _BM),),
        in_specs=[
            pl.BlockSpec((_BM, d), lambda m: (m, 0)),
            pl.BlockSpec((d, h), lambda m: (0, 0)),
            pl.BlockSpec((1, h), lambda m: (0, 0)),
            pl.BlockSpec((2, _NW, _BM // 128, 128), lambda m: (0, 0, m, 0)),
        ],
        out_specs=pl.BlockSpec((_BM, h), lambda m: (m, 0)),
        out_shape=jax.ShapeDtypeStruct((n, h), jnp.float32),
    )


def _comb_body(mid, p_ref, degh_ref, o_ref):
    d = jnp.sum(degh_ref[...], axis=1)
    scale = _scale_col(d[1])
    if mid:
        scale = scale * _scale_col(d[0])
    o_ref[...] = (p_ref[0] + p_ref[1]) * scale


def _make_comb(n, h, mid):
    return pl.pallas_call(
        functools.partial(_comb_body, mid),
        grid=(pl.cdiv(n, _BM),),
        in_specs=[
            pl.BlockSpec((_NC, _BM, h), lambda m: (0, m, 0)),
            pl.BlockSpec((2, _NW, _BM // 128, 128), lambda m: (0, 0, m, 0)),
        ],
        out_specs=pl.BlockSpec((_BM, h), lambda m: (m, 0)),
        out_shape=jax.ShapeDtypeStruct((n, h), jnp.float32),
    )


def kernel(x, edge_index, W_lin, b_lin):
    n, d = x.shape
    h = W_lin.shape[1]
    e = edge_index.shape[1]
    ep = e // _NW
    ch = 80
    nch = ep // ch
    npad = ((n + _NS * 128 - 1) // (_NS * 128)) * (_NS * 128)

    dst = edge_index[1].reshape(_NW, nch, ch)
    srcf = edge_index[0].reshape(_NW, ep)
    dstf = edge_index[1].reshape(_NW, ep)
    zerosh = jnp.zeros((npad // _NS, h), jnp.float32)
    b2 = b_lin.reshape(1, h)

    degh = _make_deg(npad, ep)(srcf, dstf)
    agg = _make_agg(npad, h, nch, ch)
    g0 = _make_lin(n, d, h)(x, W_lin, b2, degh)
    p = agg(g0, srcf, dst, zerosh)
    g1 = _make_comb(n, h, True)(p, degh)
    q = agg(g1, srcf, dst, zerosh)
    return _make_comb(n, h, False)(q, degh)

# --- scband reference (transcript-rebuilt; emitter-appended) ---
"""Pipeline reference for scband-pure-gcn-34720515620917 (READ-ONLY COPY).

The authoritative reference and input builder live on the scoring server;
editing this copy changes nothing except your own understanding.
"""

import jax, jax.numpy as jnp
import numpy as np

N = 10000
E = 320000
D_IN = 128
H = 128
NUM_LAYERS = 2


def setup_inputs(seed: int = 0) -> dict:
    key = jax.random.key(seed)
    k1, k2, k3 = jax.random.split(key, 3)
    x = jax.random.normal(k1, (N, D_IN), dtype=jnp.float32)
    edge_index = jax.random.randint(k2, (2, E), 0, N, dtype=jnp.int32)
    W_lin = jax.random.normal(k3, (D_IN, H), dtype=jnp.float32) * (1.0 / np.sqrt(D_IN))
    b_lin = jnp.zeros((H,), dtype=jnp.float32)
    return {"x": x, "edge_index": edge_index, "W_lin": W_lin, "b_lin": b_lin}


def _gcn_conv(x, src, dst, n):
    # GraphConv with weight=False, bias=False, norm='both' (DGL/PyG-style):
    # h = D_dst^{-1/2} A D_src^{-1/2} x
    ones = jnp.ones((src.shape[0],), dtype=x.dtype)
    deg_out = jax.ops.segment_sum(ones, src, num_segments=n)
    deg_in = jax.ops.segment_sum(ones, dst, num_segments=n)
    inv_sqrt_out = jnp.where(deg_out > 0, deg_out ** -0.5, 0.0)
    inv_sqrt_in = jnp.where(deg_in > 0, deg_in ** -0.5, 0.0)
    norm = inv_sqrt_out[src] * inv_sqrt_in[dst]
    msg = x[src] * norm[:, None]
    return jax.ops.segment_sum(msg, dst, num_segments=n)


def reference(x, edge_index, W_lin, b_lin):
    src = edge_index[0]
    dst = edge_index[1]
    h = x @ W_lin + b_lin
    # defaults: relu=False, norm=False, res=False, dp=0 -> pure propagation loop
    for _ in range(NUM_LAYERS):
        h = _gcn_conv(h, src, dst, N)
    return h

if __name__ == "__main__":
    import jax
    _d = setup_inputs()
    print(jax.jit(kernel)(*tuple(_d.values())))

</pallas_src>

<mosaic_0001>
#map = affine_map<(d0, d1) -> (0, 0)>
#map1 = affine_map<(d0, d1) -> (0, 0, 0)>
module attributes {stable_mosaic.version = 14 : i64} {
  func.func @agg_kernel(%arg0: i32, %arg1: i32, %arg2: memref<10000x128xf32, #tpu.memory_space<hbm>>, %arg3: memref<32x10000xi32, #tpu.memory_space<hbm>>, %arg4: memref<32x125x80xi32, #tpu.memory_space<hbm>>, %arg5: memref<640x128xf32, #tpu.memory_space<hbm>>, %arg6: memref<2x10240x128xf32, #tpu.memory_space<hbm>>, %arg7: memref<10000xi32, #tpu.memory_space<vmem>>, %arg8: memref<125x80xi32, #tpu.memory_space<vmem>>, %arg9: memref<80x128xf32, #tpu.memory_space<vmem>>, %arg10: memref<80x128xf32, #tpu.memory_space<vmem>>, %arg11: memref<10240x128xf32, #tpu.memory_space<vmem_shared>>, %arg12: memref<!tpu.dma_semaphore, #tpu.memory_space<semaphore_mem>>, %arg13: memref<!tpu.dma_semaphore, #tpu.memory_space<semaphore_mem>>, %arg14: memref<!tpu.dma_semaphore, #tpu.memory_space<semaphore_mem>>) attributes {dimension_semantics = [#tpu.dimension_semantics<core_parallel>, #tpu.dimension_semantics<subcore_parallel>], iteration_bounds = array<i64: 2, 16>, scalar_prefetch = 0 : i64, scratch_operands = 8 : i64, tpu.core_type = #tpu.core_type<sc_vector_subcore>, window_params = [{transform_indices = #map}, {transform_indices = #map}, {transform_indices = #map1}, {transform_indices = #map}, {transform_indices = #map1}]} {
    %mul3A = arith.constant 2 : i32
    %mul3A_0 = arith.muli %arg1, %mul3A : i32
    %add3A = arith.addi %mul3A_0, %arg0 : i32
    "tpu.region"() ({
      %run_scoped3A_19 = tpu.sem_alloc : memref<!tpu.dma_semaphore, #tpu.memory_space<semaphore_mem>>
      %dma_start3A_20 = arith.constant 0 : i32
      %dma_start3A_21 = tpu.memref_slice %arg3[%add3A, %dma_start3A_20] : memref<32x10000xi32, #tpu.memory_space<hbm>> -> memref<1x10000xi32, #tpu.memory_space<hbm>>
      %dma_start3A_22 = tpu.memref_squeeze %dma_start3A_21 : memref<1x10000xi32, #tpu.memory_space<hbm>> -> memref<10000xi32, #tpu.memory_space<hbm>>
      %dma_start3A_23 = arith.constant 0 : i32
      %dma_start3A_24 = tpu.memref_slice %arg3[%add3A, %dma_start3A_23] : memref<32x10000xi32, #tpu.memory_space<hbm>> -> memref<1x10000xi32, #tpu.memory_space<hbm>>
      %dma_start3A_25 = tpu.memref_squeeze %dma_start3A_24 : memref<1x10000xi32, #tpu.memory_space<hbm>> -> memref<10000xi32, #tpu.memory_space<hbm>>
      tpu.enqueue_dma source(%dma_start3A_25 : memref<10000xi32, #tpu.memory_space<hbm>>) target(%arg7 : memref<10000xi32, #tpu.memory_space<vmem>>) target_semaphore(%run_scoped3A_19 : memref<!tpu.dma_semaphore, #tpu.memory_space<semaphore_mem>>)
      %dma_wait3A_26 = arith.constant 0 : i32
      %dma_wait3A_27 = tpu.memref_slice %arg3[%add3A, %dma_wait3A_26] : memref<32x10000xi32, #tpu.memory_space<hbm>> -> memref<1x10000xi32, #tpu.memory_space<hbm>>
      %dma_wait3A_28 = tpu.memref_squeeze %dma_wait3A_27 : memref<1x10000xi32, #tpu.memory_space<hbm>> -> memref<10000xi32, #tpu.memory_space<hbm>>
      %dma_wait3A_29 = arith.constant 0 : i32
      %dma_wait3A_30 = tpu.memref_slice %arg3[%add3A, %dma_wait3A_29] : memref<32x10000xi32, #tpu.memory_space<hbm>> -> memref<1x10000xi32, #tpu.memory_space<hbm>>
      %dma_wait3A_31 = tpu.memref_squeeze %dma_wait3A_30 : memref<1x10000xi32, #tpu.memory_space<hbm>> -> memref<10000xi32, #tpu.memory_space<hbm>>
      tpu.wait_dma2 semaphore(%run_scoped3A_19 : memref<!tpu.dma_semaphore, #tpu.memory_space<semaphore_mem>>) src(%dma_wait3A_31 : memref<10000xi32, #tpu.memory_space<hbm>>) dst(%arg7 : memref<10000xi32, #tpu.memory_space<vmem>>)
      tpu.yield
    }) : () -> ()
    "tpu.region"() ({
      %run_scoped3A_19 = tpu.sem_alloc : memref<!tpu.dma_semaphore, #tpu.memory_space<semaphore_mem>>
      %dma_start3A_20 = arith.constant 0 : i32
      %dma_start3A_21 = arith.constant 0 : i32
      %dma_start3A_22 = tpu.memref_slice %arg4[%add3A, %dma_start3A_20, %dma_start3A_21] : memref<32x125x80xi32, #tpu.memory_space<hbm>> -> memref<1x125x80xi32, #tpu.memory_space<hbm>>
      %dma_start3A_23 = tpu.memref_squeeze %dma_start3A_22 : memref<1x125x80xi32, #tpu.memory_space<hbm>> -> memref<125x80xi32, #tpu.memory_space<hbm>>
      %dma_start3A_24 = arith.constant 0 : i32
      %dma_start3A_25 = arith.constant 0 : i32
      %dma_start3A_26 = tpu.memref_slice %arg4[%add3A, %dma_start3A_24, %dma_start3A_25] : memref<32x125x80xi32, #tpu.memory_space<hbm>> -> memref<1x125x80xi32, #tpu.memory_space<hbm>>
      %dma_start3A_27 = tpu.memref_squeeze %dma_start3A_26 : memref<1x125x80xi32, #tpu.memory_space<hbm>> -> memref<125x80xi32, #tpu.memory_space<hbm>>
      tpu.enqueue_dma source(%dma_start3A_27 : memref<125x80xi32, #tpu.memory_space<hbm>>) target(%arg8 : memref<125x80xi32, #tpu.memory_space<vmem>>) target_semaphore(%run_scoped3A_19 : memref<!tpu.dma_semaphore, #tpu.memory_space<semaphore_mem>>)
      %dma_wait3A_28 = arith.constant 0 : i32
      %dma_wait3A_29 = arith.constant 0 : i32
      %dma_wait3A_30 = tpu.memref_slice %arg4[%add3A, %dma_wait3A_28, %dma_wait3A_29] : memref<32x125x80xi32, #tpu.memory_space<hbm>> -> memref<1x125x80xi32, #tpu.memory_space<hbm>>
      %dma_wait3A_31 = tpu.memref_squeeze %dma_wait3A_30 : memref<1x125x80xi32, #tpu.memory_space<hbm>> -> memref<125x80xi32, #tpu.memory_space<hbm>>
      %dma_wait3A_32 = arith.constant 0 : i32
      %dma_wait3A_33 = arith.constant 0 : i32
      %dma_wait3A_34 = tpu.memref_slice %arg4[%add3A, %dma_wait3A_32, %dma_wait3A_33] : memref<32x125x80xi32, #tpu.memory_space<hbm>> -> memref<1x125x80xi32, #tpu.memory_space<hbm>>
      %dma_wait3A_35 = tpu.memref_squeeze %dma_wait3A_34 : memref<1x125x80xi32, #tpu.memory_space<hbm>> -> memref<125x80xi32, #tpu.memory_space<hbm>>
      tpu.wait_dma2 semaphore(%run_scoped3A_19 : memref<!tpu.dma_semaphore, #tpu.memory_space<semaphore_mem>>) src(%dma_wait3A_35 : memref<125x80xi32, #tpu.memory_space<hbm>>) dst(%arg8 : memref<125x80xi32, #tpu.memory_space<vmem>>)
      tpu.yield
    }) : () -> ()
    %mul3A_1 = arith.constant 640 : i32
    %mul3A_2 = arith.muli %arg1, %mul3A_1 : i32
    "tpu.region"() ({
      %run_scoped3A_19 = tpu.sem_alloc : memref<!tpu.dma_semaphore, #tpu.memory_space<semaphore_mem>>
      %dma_start3A_20 = arith.constant 0 : i32
      %dma_start3A_21 = tpu.memref_slice %arg11[%mul3A_2, %dma_start3A_20] : memref<10240x128xf32, #tpu.memory_space<vmem_shared>> -> memref<640x128xf32, #tpu.memory_space<vmem_shared>>
      tpu.enqueue_dma source(%arg5 : memref<640x128xf32, #tpu.memory_space<hbm>>) target(%dma_start3A_21 : memref<640x128xf32, #tpu.memory_space<vmem_shared>>) target_semaphore(%run_scoped3A_19 : memref<!tpu.dma_semaphore, #tpu.memory_space<semaphore_mem>>)
      %dma_wait3A_22 = arith.constant 0 : i32
      %dma_wait3A_23 = tpu.memref_slice %arg11[%mul3A_2, %dma_wait3A_22] : memref<10240x128xf32, #tpu.memory_space<vmem_shared>> -> memref<640x128xf32, #tpu.memory_space<vmem_shared>>
      tpu.wait_dma2 semaphore(%run_scoped3A_19 : memref<!tpu.dma_semaphore, #tpu.memory_space<semaphore_mem>>) src(%arg5 : memref<640x128xf32, #tpu.memory_space<hbm>>) dst(%dma_wait3A_23 : memref<640x128xf32, #tpu.memory_space<vmem_shared>>)
      tpu.yield
    }) : () -> ()
    %barrier3A = arith.constant 0 : index
    tpu.barrier barrier_id(%barrier3A)
    %scan3A = arith.constant 0 : i32
    %scan3A_3 = arith.constant 0 : i32
    %scan3A_4 = arith.constant 62 : i32
    %scan3A_5 = arith.addi %scan3A_3, %scan3A_4 : i32
    %scan3A_6 = arith.constant 1 : i32
    scf.for %scan3A_19 = %scan3A_3 to %scan3A_5 step %scan3A_6  : i32 {
      %mul3A_20 = arith.constant 2 : i32
      %mul3A_21 = arith.muli %scan3A_19, %mul3A_20 : i32
      %mul3A_22 = arith.constant 80 : i32
      %mul3A_23 = arith.muli %mul3A_21, %mul3A_22 : i32
      %dma_start3A_24 = tpu.memref_slice %arg7[%mul3A_23] : memref<10000xi32, #tpu.memory_space<vmem>> -> memref<80xi32, #tpu.memory_space<vmem>>
      %dma_start3A_25 = arith.constant 0 : i32
      %dma_start3A_26 = arith.constant 0 : i32
      %dma_start3A_27 = tpu.memref_slice %arg2[%dma_start3A_25, %dma_start3A_26] : memref<10000x128xf32, #tpu.memory_space<hbm>> -> memref<10000x128xf32, #tpu.memory_space<hbm>>
      tpu.enqueue_indirect_dma source(%dma_start3A_27 : memref<10000x128xf32, #tpu.memory_space<hbm>>) target(%arg9 : memref<80x128xf32, #tpu.memory_space<vmem>>) offsets(%dma_start3A_24 : memref<80xi32, #tpu.memory_space<vmem>>) semaphore(%arg12 : memref<!tpu.dma_semaphore, #tpu.memory_space<semaphore_mem>>)
      %add3A_28 = arith.constant 1 : i32
      %add3A_29 = arith.addi %mul3A_21, %add3A_28 : i32
      %mul3A_30 = arith.constant 80 : i32
      %mul3A_31 = arith.muli %add3A_29, %mul3A_30 : i32
      %dma_start3A_32 = tpu.memref_slice %arg7[%mul3A_31] : memref<10000xi32, #tpu.memory_space<vmem>> -> memref<80xi32, #tpu.memory_space<vmem>>
      %dma_start3A_33 = arith.constant 0 : i32
      %dma_start3A_34 = arith.constant 0 : i32
      %dma_start3A_35 = tpu.memref_slice %arg2[%dma_start3A_33, %dma_start3A_34] : memref<10000x128xf32, #tpu.memory_space<hbm>> -> memref<10000x128xf32, #tpu.memory_space<hbm>>
      tpu.enqueue_indirect_dma source(%dma_start3A_35 : memref<10000x128xf32, #tpu.memory_space<hbm>>) target(%arg10 : memref<80x128xf32, #tpu.memory_space<vmem>>) offsets(%dma_start3A_32 : memref<80xi32, #tpu.memory_space<vmem>>) semaphore(%arg13 : memref<!tpu.dma_semaphore, #tpu.memory_space<semaphore_mem>>)
      %dma_wait3A_36 = tpu.memref_slice %arg7[%mul3A_23] : memref<10000xi32, #tpu.memory_space<vmem>> -> memref<80xi32, #tpu.memory_space<vmem>>
      %dma_wait3A_37 = arith.constant 0 : i32
      %dma_wait3A_38 = arith.constant 0 : i32
      %dma_wait3A_39 = tpu.memref_slice %arg2[%dma_wait3A_37, %dma_wait3A_38] : memref<10000x128xf32, #tpu.memory_space<hbm>> -> memref<10000x128xf32, #tpu.memory_space<hbm>>
      tpu.wait_indirect_dma semaphore(%arg12 : memref<!tpu.dma_semaphore, #tpu.memory_space<semaphore_mem>>) src(%dma_wait3A_39 : memref<10000x128xf32, #tpu.memory_space<hbm>>) dst(%arg9 : memref<80x128xf32, #tpu.memory_space<vmem>>)
      %dma_start3A_40 = arith.constant 0 : i32
      %dma_start3A_41 = tpu.memref_slice %arg8[%mul3A_21, %dma_start3A_40] : memref<125x80xi32, #tpu.memory_space<vmem>> -> memref<1x80xi32, #tpu.memory_space<vmem>>
      %dma_start3A_42 = tpu.memref_squeeze %dma_start3A_41 : memref<1x80xi32, #tpu.memory_space<vmem>> -> memref<80xi32, #tpu.memory_space<vmem>>
      %dma_start3A_43 = arith.constant 0 : i32
      %dma_start3A_44 = arith.constant 0 : i32
      %dma_start3A_45 = tpu.memref_slice %arg11[%dma_start3A_43, %dma_start3A_44] : memref<10240x128xf32, #tpu.memory_space<vmem_shared>> -> memref<10240x128xf32, #tpu.memory_space<vmem_shared>>
      tpu.enqueue_indirect_dma source(%arg9 : memref<80x128xf32, #tpu.memory_space<vmem>>) target(%dma_start3A_45 : memref<10240x128xf32, #tpu.memory_space<vmem_shared>>) offsets(%dma_start3A_42 : memref<80xi32, #tpu.memory_space<vmem>>) semaphore(%arg14 : memref<!tpu.dma_semaphore, #tpu.memory_space<semaphore_mem>>) {add = true}
      %dma_wait3A_46 = tpu.memref_slice %arg7[%mul3A_31] : memref<10000xi32, #tpu.memory_space<vmem>> -> memref<80xi32, #tpu.memory_space<vmem>>
      %dma_wait3A_47 = arith.constant 0 : i32
      %dma_wait3A_48 = arith.constant 0 : i32
      %dma_wait3A_49 = tpu.memref_slice %arg2[%dma_wait3A_47, %dma_wait3A_48] : memref<10000x128xf32, #tpu.memory_space<hbm>> -> memref<10000x128xf32, #tpu.memory_space<hbm>>
      tpu.wait_indirect_dma semaphore(%arg13 : memref<!tpu.dma_semaphore, #tpu.memory_space<semaphore_mem>>) src(%dma_wait3A_49 : memref<10000x128xf32, #tpu.memory_space<hbm>>) dst(%arg10 : memref<80x128xf32, #tpu.memory_space<vmem>>)
      %add3A_50 = arith.constant 1 : i32
      %add3A_51 = arith.addi %mul3A_21, %add3A_50 : i32
      "tpu.region"() ({
        %run_scoped3A_58 = tpu.sem_alloc : memref<!tpu.dma_semaphore, #tpu.memory_space<semaphore_mem>>
        %dma_start3A_59 = arith.constant 0 : i32
        %dma_start3A_60 = tpu.memref_slice %arg8[%add3A_51, %dma_start3A_59] : memref<125x80xi32, #tpu.memory_space<vmem>> -> memref<1x80xi32, #tpu.memory_space<vmem>>
        %dma_start3A_61 = tpu.memref_squeeze %dma_start3A_60 : memref<1x80xi32, #tpu.memory_space<vmem>> -> memref<80xi32, #tpu.memory_space<vmem>>
        %dma_start3A_62 = arith.constant 0 : i32
        %dma_start3A_63 = arith.constant 0 : i32
        %dma_start3A_64 = tpu.memref_slice %arg11[%dma_start3A_62, %dma_start3A_63] : memref<10240x128xf32, #tpu.memory_space<vmem_shared>> -> memref<10240x128xf32, #tpu.memory_space<vmem_shared>>
        tpu.enqueue_indirect_dma source(%arg10 : memref<80x128xf32, #tpu.memory_space<vmem>>) target(%dma_start3A_64 : memref<10240x128xf32, #tpu.memory_space<vmem_shared>>) offsets(%dma_start3A_61 : memref<80xi32, #tpu.memory_space<vmem>>) semaphore(%run_scoped3A_58 : memref<!tpu.dma_semaphore, #tpu.memory_space<semaphore_mem>>) {add = true}
        %dma_wait3A_65 = arith.constant 0 : i32
        %dma_wait3A_66 = tpu.memref_slice %arg8[%add3A_51, %dma_wait3A_65] : memref<125x80xi32, #tpu.memory_space<vmem>> -> memref<1x80xi32, #tpu.memory_space<vmem>>
        %dma_wait3A_67 = tpu.memref_squeeze %dma_wait3A_66 : memref<1x80xi32, #tpu.memory_space<vmem>> -> memref<80xi32, #tpu.memory_space<vmem>>
        %dma_wait3A_68 = arith.constant 0 : i32
        %dma_wait3A_69 = arith.constant 0 : i32
        %dma_wait3A_70 = tpu.memref_slice %arg11[%dma_wait3A_68, %dma_wait3A_69] : memref<10240x128xf32, #tpu.memory_space<vmem_shared>> -> memref<10240x128xf32, #tpu.memory_space<vmem_shared>>
        tpu.wait_indirect_dma semaphore(%run_scoped3A_58 : memref<!tpu.dma_semaphore, #tpu.memory_space<semaphore_mem>>) src(%arg10 : memref<80x128xf32, #tpu.memory_space<vmem>>) dst(%dma_wait3A_70 : memref<10240x128xf32, #tpu.memory_space<vmem_shared>>)
        tpu.yield
      }) : () -> ()
      %dma_wait3A_52 = arith.constant 0 : i32
      %dma_wait3A_53 = tpu.memref_slice %arg8[%mul3A_21, %dma_wait3A_52] : memref<125x80xi32, #tpu.memory_space<vmem>> -> memref<1x80xi32, #tpu.memory_space<vmem>>
      %dma_wait3A_54 = tpu.memref_squeeze %dma_wait3A_53 : memref<1x80xi32, #tpu.memory_space<vmem>> -> memref<80xi32, #tpu.memory_space<vmem>>
      %dma_wait3A_55 = arith.constant 0 : i32
      %dma_wait3A_56 = arith.constant 0 : i32
      %dma_wait3A_57 = tpu.memref_slice %arg11[%dma_wait3A_55, %dma_wait3A_56] : memref<10240x128xf32, #tpu.memory_space<vmem_shared>> -> memref<10240x128xf32, #tpu.memory_space<vmem_shared>>
      tpu.wait_indirect_dma semaphore(%arg14 : memref<!tpu.dma_semaphore, #tpu.memory_space<semaphore_mem>>) src(%arg9 : memref<80x128xf32, #tpu.memory_space<vmem>>) dst(%dma_wait3A_57 : memref<10240x128xf32, #tpu.memory_space<vmem_shared>>)
    }
    %scan3A_7 = arith.constant 62 : i32
    %dma_start3A = arith.constant 9920 : i32
    %dma_start3A_8 = tpu.memref_slice %arg7[%dma_start3A] : memref<10000xi32, #tpu.memory_space<vmem>> -> memref<80xi32, #tpu.memory_space<vmem>>
    %dma_start3A_9 = arith.constant 0 : i32
    %dma_start3A_10 = arith.constant 0 : i32
    %dma_start3A_11 = tpu.memref_slice %arg2[%dma_start3A_9, %dma_start3A_10] : memref<10000x128xf32, #tpu.memory_space<hbm>> -> memref<10000x128xf32, #tpu.memory_space<hbm>>
    tpu.enqueue_indirect_dma source(%dma_start3A_11 : memref<10000x128xf32, #tpu.memory_space<hbm>>) target(%arg9 : memref<80x128xf32, #tpu.memory_space<vmem>>) offsets(%dma_start3A_8 : memref<80xi32, #tpu.memory_space<vmem>>) semaphore(%arg12 : memref<!tpu.dma_semaphore, #tpu.memory_space<semaphore_mem>>)
    %dma_wait3A = arith.constant 9920 : i32
    %dma_wait3A_12 = tpu.memref_slice %arg7[%dma_wait3A] : memref<10000xi32, #tpu.memory_space<vmem>> -> memref<80xi32, #tpu.memory_space<vmem>>
    %dma_wait3A_13 = arith.constant 0 : i32
    %dma_wait3A_14 = arith.constant 0 : i32
    %dma_wait3A_15 = tpu.memref_slice %arg2[%dma_wait3A_13, %dma_wait3A_14] : memref<10000x128xf32, #tpu.memory_space<hbm>> -> memref<10000x128xf32, #tpu.memory_space<hbm>>
    tpu.wait_indirect_dma semaphore(%arg12 : memref<!tpu.dma_semaphore, #tpu.memory_space<semaphore_mem>>) src(%dma_wait3A_15 : memref<10000x128xf32, #tpu.memory_space<hbm>>) dst(%arg9 : memref<80x128xf32, #tpu.memory_space<vmem>>)
    %run_scoped3A = arith.constant 124 : i32
    "tpu.region"() ({
      %run_scoped3A_19 = tpu.sem_alloc : memref<!tpu.dma_semaphore, #tpu.memory_space<semaphore_mem>>
      %dma_start3A_20 = arith.constant 0 : i32
      %dma_start3A_21 = tpu.memref_slice %arg8[%run_scoped3A, %dma_start3A_20] : memref<125x80xi32, #tpu.memory_space<vmem>> -> memref<1x80xi32, #tpu.memory_space<vmem>>
      %dma_start3A_22 = tpu.memref_squeeze %dma_start3A_21 : memref<1x80xi32, #tpu.memory_space<vmem>> -> memref<80xi32, #tpu.memory_space<vmem>>
      %dma_start3A_23 = arith.constant 0 : i32
      %dma_start3A_24 = arith.constant 0 : i32
      %dma_start3A_25 = tpu.memref_slice %arg11[%dma_start3A_23, %dma_start3A_24] : memref<10240x128xf32, #tpu.memory_space<vmem_shared>> -> memref<10240x128xf32, #tpu.memory_space<vmem_shared>>
      tpu.enqueue_indirect_dma source(%arg9 : memref<80x128xf32, #tpu.memory_space<vmem>>) target(%dma_start3A_25 : memref<10240x128xf32, #tpu.memory_space<vmem_shared>>) offsets(%dma_start3A_22 : memref<80xi32, #tpu.memory_space<vmem>>) semaphore(%run_scoped3A_19 : memref<!tpu.dma_semaphore, #tpu.memory_space<semaphore_mem>>) {add = true}
      %dma_wait3A_26 = arith.constant 0 : i32
      %dma_wait3A_27 = tpu.memref_slice %arg8[%run_scoped3A, %dma_wait3A_26] : memref<125x80xi32, #tpu.memory_space<vmem>> -> memref<1x80xi32, #tpu.memory_space<vmem>>
      %dma_wait3A_28 = tpu.memref_squeeze %dma_wait3A_27 : memref<1x80xi32, #tpu.memory_space<vmem>> -> memref<80xi32, #tpu.memory_space<vmem>>
      %dma_wait3A_29 = arith.constant 0 : i32
      %dma_wait3A_30 = arith.constant 0 : i32
      %dma_wait3A_31 = tpu.memref_slice %arg11[%dma_wait3A_29, %dma_wait3A_30] : memref<10240x128xf32, #tpu.memory_space<vmem_shared>> -> memref<10240x128xf32, #tpu.memory_space<vmem_shared>>
      tpu.wait_indirect_dma semaphore(%run_scoped3A_19 : memref<!tpu.dma_semaphore, #tpu.memory_space<semaphore_mem>>) src(%arg9 : memref<80x128xf32, #tpu.memory_space<vmem>>) dst(%dma_wait3A_31 : memref<10240x128xf32, #tpu.memory_space<vmem_shared>>)
      tpu.yield
    }) : () -> ()
    %barrier3A_16 = arith.constant 0 : index
    tpu.barrier barrier_id(%barrier3A_16)
    %mul3A_17 = arith.constant 640 : i32
    %mul3A_18 = arith.muli %arg1, %mul3A_17 : i32
    "tpu.region"() ({
      %run_scoped3A_19 = tpu.sem_alloc : memref<!tpu.dma_semaphore, #tpu.memory_space<semaphore_mem>>
      %dma_start3A_20 = arith.constant 0 : i32
      %dma_start3A_21 = tpu.memref_slice %arg6[%arg0, %mul3A_18, %dma_start3A_20] : memref<2x10240x128xf32, #tpu.memory_space<hbm>> -> memref<1x640x128xf32, #tpu.memory_space<hbm>>
      %dma_start3A_22 = tpu.memref_squeeze %dma_start3A_21 : memref<1x640x128xf32, #tpu.memory_space<hbm>> -> memref<640x128xf32, #tpu.memory_space<hbm>>
      %dma_start3A_23 = arith.constant 0 : i32
      %dma_start3A_24 = tpu.memref_slice %arg11[%mul3A_18, %dma_start3A_23] : memref<10240x128xf32, #tpu.memory_space<vmem_shared>> -> memref<640x128xf32, #tpu.memory_space<vmem_shared>>
      tpu.enqueue_dma source(%dma_start3A_24 : memref<640x128xf32, #tpu.memory_space<vmem_shared>>) target(%dma_start3A_22 : memref<640x128xf32, #tpu.memory_space<hbm>>) target_semaphore(%run_scoped3A_19 : memref<!tpu.dma_semaphore, #tpu.memory_space<semaphore_mem>>)
      %dma_wait3A_25 = arith.constant 0 : i32
      %dma_wait3A_26 = tpu.memref_slice %arg6[%arg0, %mul3A_18, %dma_wait3A_25] : memref<2x10240x128xf32, #tpu.memory_space<hbm>> -> memref<1x640x128xf32, #tpu.memory_space<hbm>>
      %dma_wait3A_27 = tpu.memref_squeeze %dma_wait3A_26 : memref<1x640x128xf32, #tpu.memory_space<hbm>> -> memref<640x128xf32, #tpu.memory_space<hbm>>
      %dma_wait3A_28 = arith.constant 0 : i32
      %dma_wait3A_29 = tpu.memref_slice %arg11[%mul3A_18, %dma_wait3A_28] : memref<10240x128xf32, #tpu.memory_space<vmem_shared>> -> memref<640x128xf32, #tpu.memory_space<vmem_shared>>
      tpu.wait_dma2 semaphore(%run_scoped3A_19 : memref<!tpu.dma_semaphore, #tpu.memory_space<semaphore_mem>>) src(%dma_wait3A_29 : memref<640x128xf32, #tpu.memory_space<vmem_shared>>) dst(%dma_wait3A_27 : memref<640x128xf32, #tpu.memory_space<hbm>>)
      tpu.yield
    }) : () -> ()
    return
  }
}

#map = affine_map<(d0, d1) -> (0, 0)>
#map1 = affine_map<(d0, d1) -> (0, 0, 0, 0)>
module attributes {stable_mosaic.version = 14 : i64} {
  func.func @deg_kernel(%arg0: i32, %arg1: i32, %arg2: memref<32x10000xi32, #tpu.memory_space<hbm>>, %arg3: memref<32x10000xi32, #tpu.memory_space<hbm>>, %arg4: memref<2x32x80x128xf32, #tpu.memory_space<hbm>>, %arg5: memref<10000xi32, #tpu.memory_space<vmem>>, %arg6: memref<10000xi32, #tpu.memory_space<vmem>>, %arg7: memref<80x128xf32, #tpu.memory_space<vmem>>, %arg8: memref<80x128xf32, #tpu.memory_space<vmem>>) attributes {dimension_semantics = [#tpu.dimension_semantics<core_parallel>, #tpu.dimension_semantics<subcore_parallel>], iteration_bounds = array<i64: 2, 16>, scalar_prefetch = 0 : i64, scratch_operands = 4 : i64, tpu.core_type = #tpu.core_type<sc_vector_subcore>, window_params = [{transform_indices = #map}, {transform_indices = #map}, {transform_indices = #map1}]} {
    %mul3A = arith.constant 2 : i32
    %mul3A_0 = arith.muli %arg1, %mul3A : i32
    %add3A = arith.addi %mul3A_0, %arg0 : i32
    "tpu.region"() ({
      %run_scoped3A_16 = tpu.sem_alloc : memref<!tpu.dma_semaphore, #tpu.memory_space<semaphore_mem>>
      %dma_start3A = arith.constant 0 : i32
      %dma_start3A_17 = tpu.memref_slice %arg2[%add3A, %dma_start3A] : memref<32x10000xi32, #tpu.memory_space<hbm>> -> memref<1x10000xi32, #tpu.memory_space<hbm>>
      %dma_start3A_18 = tpu.memref_squeeze %dma_start3A_17 : memref<1x10000xi32, #tpu.memory_space<hbm>> -> memref<10000xi32, #tpu.memory_space<hbm>>
      %dma_start3A_19 = arith.constant 0 : i32
      %dma_start3A_20 = tpu.memref_slice %arg2[%add3A, %dma_start3A_19] : memref<32x10000xi32, #tpu.memory_space<hbm>> -> memref<1x10000xi32, #tpu.memory_space<hbm>>
      %dma_start3A_21 = tpu.memref_squeeze %dma_start3A_20 : memref<1x10000xi32, #tpu.memory_space<hbm>> -> memref<10000xi32, #tpu.memory_space<hbm>>
      tpu.enqueue_dma source(%dma_start3A_21 : memref<10000xi32, #tpu.memory_space<hbm>>) target(%arg5 : memref<10000xi32, #tpu.memory_space<vmem>>) target_semaphore(%run_scoped3A_16 : memref<!tpu.dma_semaphore, #tpu.memory_space<semaphore_mem>>)
      %dma_wait3A = arith.constant 0 : i32
      %dma_wait3A_22 = tpu.memref_slice %arg2[%add3A, %dma_wait3A] : memref<32x10000xi32, #tpu.memory_space<hbm>> -> memref<1x10000xi32, #tpu.memory_space<hbm>>
      %dma_wait3A_23 = tpu.memref_squeeze %dma_wait3A_22 : memref<1x10000xi32, #tpu.memory_space<hbm>> -> memref<10000xi32, #tpu.memory_space<hbm>>
      %dma_wait3A_24 = arith.constant 0 : i32
      %dma_wait3A_25 = tpu.memref_slice %arg2[%add3A, %dma_wait3A_24] : memref<32x10000xi32, #tpu.memory_space<hbm>> -> memref<1x10000xi32, #tpu.memory_space<hbm>>
      %dma_wait3A_26 = tpu.memref_squeeze %dma_wait3A_25 : memref<1x10000xi32, #tpu.memory_space<hbm>> -> memref<10000xi32, #tpu.memory_space<hbm>>
      tpu.wait_dma2 semaphore(%run_scoped3A_16 : memref<!tpu.dma_semaphore, #tpu.memory_space<semaphore_mem>>) src(%dma_wait3A_26 : memref<10000xi32, #tpu.memory_space<hbm>>) dst(%arg5 : memref<10000xi32, #tpu.memory_space<vmem>>)
      tpu.yield
    }) : () -> ()
    "tpu.region"() ({
      %run_scoped3A_16 = tpu.sem_alloc : memref<!tpu.dma_semaphore, #tpu.memory_space<semaphore_mem>>
      %dma_start3A = arith.constant 0 : i32
      %dma_start3A_17 = tpu.memref_slice %arg3[%add3A, %dma_start3A] : memref<32x10000xi32, #tpu.memory_space<hbm>> -> memref<1x10000xi32, #tpu.memory_space<hbm>>
      %dma_start3A_18 = tpu.memref_squeeze %dma_start3A_17 : memref<1x10000xi32, #tpu.memory_space<hbm>> -> memref<10000xi32, #tpu.memory_space<hbm>>
      %dma_start3A_19 = arith.constant 0 : i32
      %dma_start3A_20 = tpu.memref_slice %arg3[%add3A, %dma_start3A_19] : memref<32x10000xi32, #tpu.memory_space<hbm>> -> memref<1x10000xi32, #tpu.memory_space<hbm>>
      %dma_start3A_21 = tpu.memref_squeeze %dma_start3A_20 : memref<1x10000xi32, #tpu.memory_space<hbm>> -> memref<10000xi32, #tpu.memory_space<hbm>>
      tpu.enqueue_dma source(%dma_start3A_21 : memref<10000xi32, #tpu.memory_space<hbm>>) target(%arg6 : memref<10000xi32, #tpu.memory_space<vmem>>) target_semaphore(%run_scoped3A_16 : memref<!tpu.dma_semaphore, #tpu.memory_space<semaphore_mem>>)
      %dma_wait3A = arith.constant 0 : i32
      %dma_wait3A_22 = tpu.memref_slice %arg3[%add3A, %dma_wait3A] : memref<32x10000xi32, #tpu.memory_space<hbm>> -> memref<1x10000xi32, #tpu.memory_space<hbm>>
      %dma_wait3A_23 = tpu.memref_squeeze %dma_wait3A_22 : memref<1x10000xi32, #tpu.memory_space<hbm>> -> memref<10000xi32, #tpu.memory_space<hbm>>
      %dma_wait3A_24 = arith.constant 0 : i32
      %dma_wait3A_25 = tpu.memref_slice %arg3[%add3A, %dma_wait3A_24] : memref<32x10000xi32, #tpu.memory_space<hbm>> -> memref<1x10000xi32, #tpu.memory_space<hbm>>
      %dma_wait3A_26 = tpu.memref_squeeze %dma_wait3A_25 : memref<1x10000xi32, #tpu.memory_space<hbm>> -> memref<10000xi32, #tpu.memory_space<hbm>>
      tpu.wait_dma2 semaphore(%run_scoped3A_16 : memref<!tpu.dma_semaphore, #tpu.memory_space<semaphore_mem>>) src(%dma_wait3A_26 : memref<10000xi32, #tpu.memory_space<hbm>>) dst(%arg6 : memref<10000xi32, #tpu.memory_space<vmem>>)
      tpu.yield
    }) : () -> ()
    %broadcast_in_dim3A = arith.constant 0.000000e+00 : f32
    %broadcast_in_dim3A_1 = vector.broadcast %broadcast_in_dim3A : f32 to vector<16xf32>
    %scan3A = arith.constant 0 : i32
    %scan3A_2 = arith.constant 0 : i32
    %scan3A_3 = arith.constant 80 : i32
    %scan3A_4 = arith.addi %scan3A_2, %scan3A_3 : i32
    %scan3A_5 = arith.constant 1 : i32
    scf.for %scan3A_16 = %scan3A_2 to %scan3A_4 step %scan3A_5  : i32 {
      %swap3A = arith.index_cast %scan3A_16 : i32 to index
      %swap3A_17 = arith.constant 0 : index
      %swap3A_18 = tpu.vector_load %arg7[%swap3A, %swap3A_17] {strides = array<i32>} : memref<80x128xf32, #tpu.memory_space<vmem>>, vector<16xf32>,
      tpu.vector_store %arg7[%swap3A, %swap3A_17], %broadcast_in_dim3A_1 {strides = array<i32>} : memref<80x128xf32, #tpu.memory_space<vmem>>, vector<16xf32>,
      %swap3A_19 = arith.index_cast %scan3A_16 : i32 to index
      %swap3A_20 = arith.constant 0 : index
      %swap3A_21 = tpu.vector_load %arg8[%swap3A_19, %swap3A_20] {strides = array<i32>} : memref<80x128xf32, #tpu.memory_space<vmem>>, vector<16xf32>,
      tpu.vector_store %arg8[%swap3A_19, %swap3A_20], %broadcast_in_dim3A_1 {strides = array<i32>} : memref<80x128xf32, #tpu.memory_space<vmem>>, vector<16xf32>,
      %swap3A_22 = arith.index_cast %scan3A_16 : i32 to index
      %swap3A_23 = arith.constant 16 : index
      %swap3A_24 = tpu.vector_load %arg7[%swap3A_22, %swap3A_23] {strides = array<i32>} : memref<80x128xf32, #tpu.memory_space<vmem>>, vector<16xf32>,
      tpu.vector_store %arg7[%swap3A_22, %swap3A_23], %broadcast_in_dim3A_1 {strides = array<i32>} : memref<80x128xf32, #tpu.memory_space<vmem>>, vector<16xf32>,
      %swap3A_25 = arith.index_cast %scan3A_16 : i32 to index
      %swap3A_26 = arith.constant 16 : index
      %swap3A_27 = tpu.vector_load %arg8[%swap3A_25, %swap3A_26] {strides = array<i32>} : memref<80x128xf32, #tpu.memory_space<vmem>>, vector<16xf32>,
      tpu.vector_store %arg8[%swap3A_25, %swap3A_26], %broadcast_in_dim3A_1 {strides = array<i32>} : memref<80x128xf32, #tpu.memory_space<vmem>>, vector<16xf32>,
      %swap3A_28 = arith.index_cast %scan3A_16 : i32 to index
      %swap3A_29 = arith.constant 32 : index
      %swap3A_30 = tpu.vector_load %arg7[%swap3A_28, %swap3A_29] {strides = array<i32>} : memref<80x128xf32, #tpu.memory_space<vmem>>, vector<16xf32>,
      tpu.vector_store %arg7[%swap3A_28, %swap3A_29], %broadcast_in_dim3A_1 {strides = array<i32>} : memref<80x128xf32, #tpu.memory_space<vmem>>, vector<16xf32>,
      %swap3A_31 = arith.index_cast %scan3A_16 : i32 to index
      %swap3A_32 = arith.constant 32 : index
      %swap3A_33 = tpu.vector_load %arg8[%swap3A_31, %swap3A_32] {strides = array<i32>} : memref<80x128xf32, #tpu.memory_space<vmem>>, vector<16xf32>,
      tpu.vector_store %arg8[%swap3A_31, %swap3A_32], %broadcast_in_dim3A_1 {strides = array<i32>} : memref<80x128xf32, #tpu.memory_space<vmem>>, vector<16xf32>,
      %swap3A_34 = arith.index_cast %scan3A_16 : i32 to index
      %swap3A_35 = arith.constant 48 : index
      %swap3A_36 = tpu.vector_load %arg7[%swap3A_34, %swap3A_35] {strides = array<i32>} : memref<80x128xf32, #tpu.memory_space<vmem>>, vector<16xf32>,
      tpu.vector_store %arg7[%swap3A_34, %swap3A_35], %broadcast_in_dim3A_1 {strides = array<i32>} : memref<80x128xf32, #tpu.memory_space<vmem>>, vector<16xf32>,
      %swap3A_37 = arith.index_cast %scan3A_16 : i32 to index
      %swap3A_38 = arith.constant 48 : index
      %swap3A_39 = tpu.vector_load %arg8[%swap3A_37, %swap3A_38] {strides = array<i32>} : memref<80x128xf32, #tpu.memory_space<vmem>>, vector<16xf32>,
      tpu.vector_store %arg8[%swap3A_37, %swap3A_38], %broadcast_in_dim3A_1 {strides = array<i32>} : memref<80x128xf32, #tpu.memory_space<vmem>>, vector<16xf32>,
      %swap3A_40 = arith.index_cast %scan3A_16 : i32 to index
      %swap3A_41 = arith.constant 64 : index
      %swap3A_42 = tpu.vector_load %arg7[%swap3A_40, %swap3A_41] {strides = array<i32>} : memref<80x128xf32, #tpu.memory_space<vmem>>, vector<16xf32>,
      tpu.vector_store %arg7[%swap3A_40, %swap3A_41], %broadcast_in_dim3A_1 {strides = array<i32>} : memref<80x128xf32, #tpu.memory_space<vmem>>, vector<16xf32>,
      %swap3A_43 = arith.index_cast %scan3A_16 : i32 to index
      %swap3A_44 = arith.constant 64 : index
      %swap3A_45 = tpu.vector_load %arg8[%swap3A_43, %swap3A_44] {strides = array<i32>} : memref<80x128xf32, #tpu.memory_space<vmem>>, vector<16xf32>,
      tpu.vector_store %arg8[%swap3A_43, %swap3A_44], %broadcast_in_dim3A_1 {strides = array<i32>} : memref<80x128xf32, #tpu.memory_space<vmem>>, vector<16xf32>,
      %swap3A_46 = arith.index_cast %scan3A_16 : i32 to index
      %swap3A_47 = arith.constant 80 : index
      %swap3A_48 = tpu.vector_load %arg7[%swap3A_46, %swap3A_47] {strides = array<i32>} : memref<80x128xf32, #tpu.memory_space<vmem>>, vector<16xf32>,
      tpu.vector_store %arg7[%swap3A_46, %swap3A_47], %broadcast_in_dim3A_1 {strides = array<i32>} : memref<80x128xf32, #tpu.memory_space<vmem>>, vector<16xf32>,
      %swap3A_49 = arith.index_cast %scan3A_16 : i32 to index
      %swap3A_50 = arith.constant 80 : index
      %swap3A_51 = tpu.vector_load %arg8[%swap3A_49, %swap3A_50] {strides = array<i32>} : memref<80x128xf32, #tpu.memory_space<vmem>>, vector<16xf32>,
      tpu.vector_store %arg8[%swap3A_49, %swap3A_50], %broadcast_in_dim3A_1 {strides = array<i32>} : memref<80x128xf32, #tpu.memory_space<vmem>>, vector<16xf32>,
      %swap3A_52 = arith.index_cast %scan3A_16 : i32 to index
      %swap3A_53 = arith.constant 96 : index
      %swap3A_54 = tpu.vector_load %arg7[%swap3A_52, %swap3A_53] {strides = array<i32>} : memref<80x128xf32, #tpu.memory_space<vmem>>, vector<16xf32>,
      tpu.vector_store %arg7[%swap3A_52, %swap3A_53], %broadcast_in_dim3A_1 {strides = array<i32>} : memref<80x128xf32, #tpu.memory_space<vmem>>, vector<16xf32>,
      %swap3A_55 = arith.index_cast %scan3A_16 : i32 to index
      %swap3A_56 = arith.constant 96 : index
      %swap3A_57 = tpu.vector_load %arg8[%swap3A_55, %swap3A_56] {strides = array<i32>} : memref<80x128xf32, #tpu.memory_space<vmem>>, vector<16xf32>,
      tpu.vector_store %arg8[%swap3A_55, %swap3A_56], %broadcast_in_dim3A_1 {strides = array<i32>} : memref<80x128xf32, #tpu.memory_space<vmem>>, vector<16xf32>,
      %swap3A_58 = arith.index_cast %scan3A_16 : i32 to index
      %swap3A_59 = arith.constant 112 : index
      %swap3A_60 = tpu.vector_load %arg7[%swap3A_58, %swap3A_59] {strides = array<i32>} : memref<80x128xf32, #tpu.memory_space<vmem>>, vector<16xf32>,
      tpu.vector_store %arg7[%swap3A_58, %swap3A_59], %broadcast_in_dim3A_1 {strides = array<i32>} : memref<80x128xf32, #tpu.memory_space<vmem>>, vector<16xf32>,
      %swap3A_61 = arith.index_cast %scan3A_16 : i32 to index
      %swap3A_62 = arith.constant 112 : index
      %swap3A_63 = tpu.vector_load %arg8[%swap3A_61, %swap3A_62] {strides = array<i32>} : memref<80x128xf32, #tpu.memory_space<vmem>>, vector<16xf32>,
      tpu.vector_store %arg8[%swap3A_61, %swap3A_62], %broadcast_in_dim3A_1 {strides = array<i32>} : memref<80x128xf32, #tpu.memory_space<vmem>>, vector<16xf32>,
    }
    %scan3A_6 = arith.constant 80 : i32
    %broadcast_in_dim3A_7 = arith.constant 1.000000e+00 : f32
    %broadcast_in_dim3A_8 = vector.broadcast %broadcast_in_dim3A_7 : f32 to vector<16xf32>
    %scan3A_9 = arith.constant 0 : i32
    %scan3A_10 = arith.constant 0 : i32
    %scan3A_11 = arith.constant 625 : i32
    %scan3A_12 = arith.addi %scan3A_10, %scan3A_11 : i32
    %scan3A_13 = arith.constant 1 : i32
    scf.for %scan3A_16 = %scan3A_10 to %scan3A_12 step %scan3A_13  : i32 {
      %mul3A_17 = arith.constant 16 : i32
      %mul3A_18 = arith.muli %scan3A_16, %mul3A_17 : i32
      %get3A = arith.index_cast %mul3A_18 : i32 to index
      %get3A_19 = tpu.vector_load %arg5[%get3A] {strides = array<i32>} : memref<10000xi32, #tpu.memory_space<vmem>>, vector<16xi32>,
      %shift_right_logical3A = arith.constant 7 : i32
      %shift_right_logical3A_20 = vector.broadcast %shift_right_logical3A : i32 to vector<16xi32>
      %shift_right_logical3A_21 = arith.shrui %get3A_19, %shift_right_logical3A_20 : vector<16xi32>
      %and3A = arith.constant 127 : i32
      %and3A_22 = vector.broadcast %and3A : i32 to vector<16xi32>
      %and3A_23 = arith.andi %get3A_19, %and3A_22 : vector<16xi32>
      tpu.vector_store_idx %arg7[%shift_right_logical3A_21, %and3A_23], %broadcast_in_dim3A_8 {add = true} : memref<80x128xf32, #tpu.memory_space<vmem>>[vector<16xi32>, vector<16xi32>], vector<16xf32>,
      %mul3A_24 = arith.constant 16 : i32
      %mul3A_25 = arith.muli %scan3A_16, %mul3A_24 : i32
      %get3A_26 = arith.index_cast %mul3A_25 : i32 to index
      %get3A_27 = tpu.vector_load %arg6[%get3A_26] {strides = array<i32>} : memref<10000xi32, #tpu.memory_space<vmem>>, vector<16xi32>,
      %shift_right_logical3A_28 = arith.constant 7 : i32
      %shift_right_logical3A_29 = vector.broadcast %shift_right_logical3A_28 : i32 to vector<16xi32>
      %shift_right_logical3A_30 = arith.shrui %get3A_27, %shift_right_logical3A_29 : vector<16xi32>
      %and3A_31 = arith.constant 127 : i32
      %and3A_32 = vector.broadcast %and3A_31 : i32 to vector<16xi32>
      %and3A_33 = arith.andi %get3A_27, %and3A_32 : vector<16xi32>
      tpu.vector_store_idx %arg8[%shift_right_logical3A_30, %and3A_33], %broadcast_in_dim3A_8 {add = true} : memref<80x128xf32, #tpu.memory_space<vmem>>[vector<16xi32>, vector<16xi32>], vector<16xf32>,
    }
    %scan3A_14 = arith.constant 625 : i32
    %run_scoped3A = arith.constant 0 : i32
    "tpu.region"() ({
      %run_scoped3A_16 = tpu.sem_alloc : memref<!tpu.dma_semaphore, #tpu.memory_space<semaphore_mem>>
      %dma_start3A = arith.constant 0 : i32
      %dma_start3A_17 = arith.constant 0 : i32
      %dma_start3A_18 = tpu.memref_slice %arg4[%run_scoped3A, %add3A, %dma_start3A, %dma_start3A_17] : memref<2x32x80x128xf32, #tpu.memory_space<hbm>> -> memref<1x1x80x128xf32, #tpu.memory_space<hbm>>
      %dma_start3A_19 = tpu.memref_squeeze %dma_start3A_18 : memref<1x1x80x128xf32, #tpu.memory_space<hbm>> -> memref<80x128xf32, #tpu.memory_space<hbm>>
      %dma_start3A_20 = arith.constant 0 : i32
      %dma_start3A_21 = arith.constant 0 : i32
      %dma_start3A_22 = tpu.memref_slice %arg4[%run_scoped3A, %add3A, %dma_start3A_20, %dma_start3A_21] : memref<2x32x80x128xf32, #tpu.memory_space<hbm>> -> memref<1x1x80x128xf32, #tpu.memory_space<hbm>>
      %dma_start3A_23 = tpu.memref_squeeze %dma_start3A_22 : memref<1x1x80x128xf32, #tpu.memory_space<hbm>> -> memref<80x128xf32, #tpu.memory_space<hbm>>
      tpu.enqueue_dma source(%arg7 : memref<80x128xf32, #tpu.memory_space<vmem>>) target(%dma_start3A_23 : memref<80x128xf32, #tpu.memory_space<hbm>>) target_semaphore(%run_scoped3A_16 : memref<!tpu.dma_semaphore, #tpu.memory_space<semaphore_mem>>)
      %dma_wait3A = arith.constant 0 : i32
      %dma_wait3A_24 = arith.constant 0 : i32
      %dma_wait3A_25 = tpu.memref_slice %arg4[%run_scoped3A, %add3A, %dma_wait3A, %dma_wait3A_24] : memref<2x32x80x128xf32, #tpu.memory_space<hbm>> -> memref<1x1x80x128xf32, #tpu.memory_space<hbm>>
      %dma_wait3A_26 = tpu.memref_squeeze %dma_wait3A_25 : memref<1x1x80x128xf32, #tpu.memory_space<hbm>> -> memref<80x128xf32, #tpu.memory_space<hbm>>
      %dma_wait3A_27 = arith.constant 0 : i32
      %dma_wait3A_28 = arith.constant 0 : i32
      %dma_wait3A_29 = tpu.memref_slice %arg4[%run_scoped3A, %add3A, %dma_wait3A_27, %dma_wait3A_28] : memref<2x32x80x128xf32, #tpu.memory_space<hbm>> -> memref<1x1x80x128xf32, #tpu.memory_space<hbm>>
      %dma_wait3A_30 = tpu.memref_squeeze %dma_wait3A_29 : memref<1x1x80x128xf32, #tpu.memory_space<hbm>> -> memref<80x128xf32, #tpu.memory_space<hbm>>
      tpu.wait_dma2 semaphore(%run_scoped3A_16 : memref<!tpu.dma_semaphore, #tpu.memory_space<semaphore_mem>>) src(%arg7 : memref<80x128xf32, #tpu.memory_space<vmem>>) dst(%dma_wait3A_30 : memref<80x128xf32, #tpu.memory_space<hbm>>)
      tpu.yield
    }) : () -> ()
    %run_scoped3A_15 = arith.constant 1 : i32
    "tpu.region"() ({
      %run_scoped3A_16 = tpu.sem_alloc : memref<!tpu.dma_semaphore, #tpu.memory_space<semaphore_mem>>
      %dma_start3A = arith.constant 0 : i32
      %dma_start3A_17 = arith.constant 0 : i32
      %dma_start3A_18 = tpu.memref_slice %arg4[%run_scoped3A_15, %add3A, %dma_start3A, %dma_start3A_17] : memref<2x32x80x128xf32, #tpu.memory_space<hbm>> -> memref<1x1x80x128xf32, #tpu.memory_space<hbm>>
      %dma_start3A_19 = tpu.memref_squeeze %dma_start3A_18 : memref<1x1x80x128xf32, #tpu.memory_space<hbm>> -> memref<80x128xf32, #tpu.memory_space<hbm>>
      %dma_start3A_20 = arith.constant 0 : i32
      %dma_start3A_21 = arith.constant 0 : i32
      %dma_start3A_22 = tpu.memref_slice %arg4[%run_scoped3A_15, %add3A, %dma_start3A_20, %dma_start3A_21] : memref<2x32x80x128xf32, #tpu.memory_space<hbm>> -> memref<1x1x80x128xf32, #tpu.memory_space<hbm>>
      %dma_start3A_23 = tpu.memref_squeeze %dma_start3A_22 : memref<1x1x80x128xf32, #tpu.memory_space<hbm>> -> memref<80x128xf32, #tpu.memory_space<hbm>>
      tpu.enqueue_dma source(%arg8 : memref<80x128xf32, #tpu.memory_space<vmem>>) target(%dma_start3A_23 : memref<80x128xf32, #tpu.memory_space<hbm>>) target_semaphore(%run_scoped3A_16 : memref<!tpu.dma_semaphore, #tpu.memory_space<semaphore_mem>>)
      %dma_wait3A = arith.constant 0 : i32
      %dma_wait3A_24 = arith.constant 0 : i32
      %dma_wait3A_25 = tpu.memref_slice %arg4[%run_scoped3A_15, %add3A, %dma_wait3A, %dma_wait3A_24] : memref<2x32x80x128xf32, #tpu.memory_space<hbm>> -> memref<1x1x80x128xf32, #tpu.memory_space<hbm>>
      %dma_wait3A_26 = tpu.memref_squeeze %dma_wait3A_25 : memref<1x1x80x128xf32, #tpu.memory_space<hbm>> -> memref<80x128xf32, #tpu.memory_space<hbm>>
      %dma_wait3A_27 = arith.constant 0 : i32
      %dma_wait3A_28 = arith.constant 0 : i32
      %dma_wait3A_29 = tpu.memref_slice %arg4[%run_scoped3A_15, %add3A, %dma_wait3A_27, %dma_wait3A_28] : memref<2x32x80x128xf32, #tpu.memory_space<hbm>> -> memref<1x1x80x128xf32, #tpu.memory_space<hbm>>
      %dma_wait3A_30 = tpu.memref_squeeze %dma_wait3A_29 : memref<1x1x80x128xf32, #tpu.memory_space<hbm>> -> memref<80x128xf32, #tpu.memory_space<hbm>>
      tpu.wait_dma2 semaphore(%run_scoped3A_16 : memref<!tpu.dma_semaphore, #tpu.memory_space<semaphore_mem>>) src(%arg8 : memref<80x128xf32, #tpu.memory_space<vmem>>) dst(%dma_wait3A_30 : memref<80x128xf32, #tpu.memory_space<hbm>>)
      tpu.yield
    }) : () -> ()
    return
  }
}

#map = affine_map<(d0, d1) -> (0, 0)>
#map1 = affine_map<(d0, d1) -> (0, 0, 0)>
module attributes {stable_mosaic.version = 14 : i64} {
  func.func @agg_kernel(%arg0: i32, %arg1: i32, %arg2: memref<10000x128xf32, #tpu.memory_space<hbm>>, %arg3: memref<32x10000xi32, #tpu.memory_space<hbm>>, %arg4: memref<32x125x80xi32, #tpu.memory_space<hbm>>, %arg5: memref<640x128xf32, #tpu.memory_space<hbm>>, %arg6: memref<2x10240x128xf32, #tpu.memory_space<hbm>>, %arg7: memref<10000xi32, #tpu.memory_space<vmem>>, %arg8: memref<125x80xi32, #tpu.memory_space<vmem>>, %arg9: memref<80x128xf32, #tpu.memory_space<vmem>>, %arg10: memref<80x128xf32, #tpu.memory_space<vmem>>, %arg11: memref<10240x128xf32, #tpu.memory_space<vmem_shared>>, %arg12: memref<!tpu.dma_semaphore, #tpu.memory_space<semaphore_mem>>, %arg13: memref<!tpu.dma_semaphore, #tpu.memory_space<semaphore_mem>>, %arg14: memref<!tpu.dma_semaphore, #tpu.memory_space<semaphore_mem>>) attributes {dimension_semantics = [#tpu.dimension_semantics<core_parallel>, #tpu.dimension_semantics<subcore_parallel>], iteration_bounds = array<i64: 2, 16>, scalar_prefetch = 0 : i64, scratch_operands = 8 : i64, tpu.core_type = #tpu.core_type<sc_vector_subcore>, window_params = [{transform_indices = #map}, {transform_indices = #map}, {transform_indices = #map1}, {transform_indices = #map}, {transform_indices = #map1}]} {
    %mul3A = arith.constant 2 : i32
    %mul3A_0 = arith.muli %arg1, %mul3A : i32
    %add3A = arith.addi %mul3A_0, %arg0 : i32
    "tpu.region"() ({
      %run_scoped3A_19 = tpu.sem_alloc : memref<!tpu.dma_semaphore, #tpu.memory_space<semaphore_mem>>
      %dma_start3A_20 = arith.constant 0 : i32
      %dma_start3A_21 = tpu.memref_slice %arg3[%add3A, %dma_start3A_20] : memref<32x10000xi32, #tpu.memory_space<hbm>> -> memref<1x10000xi32, #tpu.memory_space<hbm>>
      %dma_start3A_22 = tpu.memref_squeeze %dma_start3A_21 : memref<1x10000xi32, #tpu.memory_space<hbm>> -> memref<10000xi32, #tpu.memory_space<hbm>>
      %dma_start3A_23 = arith.constant 0 : i32
      %dma_start3A_24 = tpu.memref_slice %arg3[%add3A, %dma_start3A_23] : memref<32x10000xi32, #tpu.memory_space<hbm>> -> memref<1x10000xi32, #tpu.memory_space<hbm>>
      %dma_start3A_25 = tpu.memref_squeeze %dma_start3A_24 : memref<1x10000xi32, #tpu.memory_space<hbm>> -> memref<10000xi32, #tpu.memory_space<hbm>>
      tpu.enqueue_dma source(%dma_start3A_25 : memref<10000xi32, #tpu.memory_space<hbm>>) target(%arg7 : memref<10000xi32, #tpu.memory_space<vmem>>) target_semaphore(%run_scoped3A_19 : memref<!tpu.dma_semaphore, #tpu.memory_space<semaphore_mem>>)
      %dma_wait3A_26 = arith.constant 0 : i32
      %dma_wait3A_27 = tpu.memref_slice %arg3[%add3A, %dma_wait3A_26] : memref<32x10000xi32, #tpu.memory_space<hbm>> -> memref<1x10000xi32, #tpu.memory_space<hbm>>
      %dma_wait3A_28 = tpu.memref_squeeze %dma_wait3A_27 : memref<1x10000xi32, #tpu.memory_space<hbm>> -> memref<10000xi32, #tpu.memory_space<hbm>>
      %dma_wait3A_29 = arith.constant 0 : i32
      %dma_wait3A_30 = tpu.memref_slice %arg3[%add3A, %dma_wait3A_29] : memref<32x10000xi32, #tpu.memory_space<hbm>> -> memref<1x10000xi32, #tpu.memory_space<hbm>>
      %dma_wait3A_31 = tpu.memref_squeeze %dma_wait3A_30 : memref<1x10000xi32, #tpu.memory_space<hbm>> -> memref<10000xi32, #tpu.memory_space<hbm>>
      tpu.wait_dma2 semaphore(%run_scoped3A_19 : memref<!tpu.dma_semaphore, #tpu.memory_space<semaphore_mem>>) src(%dma_wait3A_31 : memref<10000xi32, #tpu.memory_space<hbm>>) dst(%arg7 : memref<10000xi32, #tpu.memory_space<vmem>>)
      tpu.yield
    }) : () -> ()
    "tpu.region"() ({
      %run_scoped3A_19 = tpu.sem_alloc : memref<!tpu.dma_semaphore, #tpu.memory_space<semaphore_mem>>
      %dma_start3A_20 = arith.constant 0 : i32
      %dma_start3A_21 = arith.constant 0 : i32
      %dma_start3A_22 = tpu.memref_slice %arg4[%add3A, %dma_start3A_20, %dma_start3A_21] : memref<32x125x80xi32, #tpu.memory_space<hbm>> -> memref<1x125x80xi32, #tpu.memory_space<hbm>>
      %dma_start3A_23 = tpu.memref_squeeze %dma_start3A_22 : memref<1x125x80xi32, #tpu.memory_space<hbm>> -> memref<125x80xi32, #tpu.memory_space<hbm>>
      %dma_start3A_24 = arith.constant 0 : i32
      %dma_start3A_25 = arith.constant 0 : i32
      %dma_start3A_26 = tpu.memref_slice %arg4[%add3A, %dma_start3A_24, %dma_start3A_25] : memref<32x125x80xi32, #tpu.memory_space<hbm>> -> memref<1x125x80xi32, #tpu.memory_space<hbm>>
      %dma_start3A_27 = tpu.memref_squeeze %dma_start3A_26 : memref<1x125x80xi32, #tpu.memory_space<hbm>> -> memref<125x80xi32, #tpu.memory_space<hbm>>
      tpu.enqueue_dma source(%dma_start3A_27 : memref<125x80xi32, #tpu.memory_space<hbm>>) target(%arg8 : memref<125x80xi32, #tpu.memory_space<vmem>>) target_semaphore(%run_scoped3A_19 : memref<!tpu.dma_semaphore, #tpu.memory_space<semaphore_mem>>)
      %dma_wait3A_28 = arith.constant 0 : i32
      %dma_wait3A_29 = arith.constant 0 : i32
      %dma_wait3A_30 = tpu.memref_slice %arg4[%add3A, %dma_wait3A_28, %dma_wait3A_29] : memref<32x125x80xi32, #tpu.memory_space<hbm>> -> memref<1x125x80xi32, #tpu.memory_space<hbm>>
      %dma_wait3A_31 = tpu.memref_squeeze %dma_wait3A_30 : memref<1x125x80xi32, #tpu.memory_space<hbm>> -> memref<125x80xi32, #tpu.memory_space<hbm>>
      %dma_wait3A_32 = arith.constant 0 : i32
      %dma_wait3A_33 = arith.constant 0 : i32
      %dma_wait3A_34 = tpu.memref_slice %arg4[%add3A, %dma_wait3A_32, %dma_wait3A_33] : memref<32x125x80xi32, #tpu.memory_space<hbm>> -> memref<1x125x80xi32, #tpu.memory_space<hbm>>
      %dma_wait3A_35 = tpu.memref_squeeze %dma_wait3A_34 : memref<1x125x80xi32, #tpu.memory_space<hbm>> -> memref<125x80xi32, #tpu.memory_space<hbm>>
      tpu.wait_dma2 semaphore(%run_scoped3A_19 : memref<!tpu.dma_semaphore, #tpu.memory_space<semaphore_mem>>) src(%dma_wait3A_35 : memref<125x80xi32, #tpu.memory_space<hbm>>) dst(%arg8 : memref<125x80xi32, #tpu.memory_space<vmem>>)
      tpu.yield
    }) : () -> ()
    %mul3A_1 = arith.constant 640 : i32
    %mul3A_2 = arith.muli %arg1, %mul3A_1 : i32
    "tpu.region"() ({
      %run_scoped3A_19 = tpu.sem_alloc : memref<!tpu.dma_semaphore, #tpu.memory_space<semaphore_mem>>
      %dma_start3A_20 = arith.constant 0 : i32
      %dma_start3A_21 = tpu.memref_slice %arg11[%mul3A_2, %dma_start3A_20] : memref<10240x128xf32, #tpu.memory_space<vmem_shared>> -> memref<640x128xf32, #tpu.memory_space<vmem_shared>>
      tpu.enqueue_dma source(%arg5 : memref<640x128xf32, #tpu.memory_space<hbm>>) target(%dma_start3A_21 : memref<640x128xf32, #tpu.memory_space<vmem_shared>>) target_semaphore(%run_scoped3A_19 : memref<!tpu.dma_semaphore, #tpu.memory_space<semaphore_mem>>)
      %dma_wait3A_22 = arith.constant 0 : i32
      %dma_wait3A_23 = tpu.memref_slice %arg11[%mul3A_2, %dma_wait3A_22] : memref<10240x128xf32, #tpu.memory_space<vmem_shared>> -> memref<640x128xf32, #tpu.memory_space<vmem_shared>>
      tpu.wait_dma2 semaphore(%run_scoped3A_19 : memref<!tpu.dma_semaphore, #tpu.memory_space<semaphore_mem>>) src(%arg5 : memref<640x128xf32, #tpu.memory_space<hbm>>) dst(%dma_wait3A_23 : memref<640x128xf32, #tpu.memory_space<vmem_shared>>)
      tpu.yield
    }) : () -> ()
    %barrier3A = arith.constant 0 : index
    tpu.barrier barrier_id(%barrier3A)
    %scan3A = arith.constant 0 : i32
    %scan3A_3 = arith.constant 0 : i32
    %scan3A_4 = arith.constant 62 : i32
    %scan3A_5 = arith.addi %scan3A_3, %scan3A_4 : i32
    %scan3A_6 = arith.constant 1 : i32
    scf.for %scan3A_19 = %scan3A_3 to %scan3A_5 step %scan3A_6  : i32 {
      %mul3A_20 = arith.constant 2 : i32
      %mul3A_21 = arith.muli %scan3A_19, %mul3A_20 : i32
      %mul3A_22 = arith.constant 80 : i32
      %mul3A_23 = arith.muli %mul3A_21, %mul3A_22 : i32
      %dma_start3A_24 = tpu.memref_slice %arg7[%mul3A_23] : memref<10000xi32, #tpu.memory_space<vmem>> -> memref<80xi32, #tpu.memory_space<vmem>>
      %dma_start3A_25 = arith.constant 0 : i32
      %dma_start3A_26 = arith.constant 0 : i32
      %dma_start3A_27 = tpu.memref_slice %arg2[%dma_start3A_25, %dma_start3A_26] : memref<10000x128xf32, #tpu.memory_space<hbm>> -> memref<10000x128xf32, #tpu.memory_space<hbm>>
      tpu.enqueue_indirect_dma source(%dma_start3A_27 : memref<10000x128xf32, #tpu.memory_space<hbm>>) target(%arg9 : memref<80x128xf32, #tpu.memory_space<vmem>>) offsets(%dma_start3A_24 : memref<80xi32, #tpu.memory_space<vmem>>) semaphore(%arg12 : memref<!tpu.dma_semaphore, #tpu.memory_space<semaphore_mem>>)
      %add3A_28 = arith.constant 1 : i32
      %add3A_29 = arith.addi %mul3A_21, %add3A_28 : i32
      %mul3A_30 = arith.constant 80 : i32
      %mul3A_31 = arith.muli %add3A_29, %mul3A_30 : i32
      %dma_start3A_32 = tpu.memref_slice %arg7[%mul3A_31] : memref<10000xi32, #tpu.memory_space<vmem>> -> memref<80xi32, #tpu.memory_space<vmem>>
      %dma_start3A_33 = arith.constant 0 : i32
      %dma_start3A_34 = arith.constant 0 : i32
      %dma_start3A_35 = tpu.memref_slice %arg2[%dma_start3A_33, %dma_start3A_34] : memref<10000x128xf32, #tpu.memory_space<hbm>> -> memref<10000x128xf32, #tpu.memory_space<hbm>>
      tpu.enqueue_indirect_dma source(%dma_start3A_35 : memref<10000x128xf32, #tpu.memory_space<hbm>>) target(%arg10 : memref<80x128xf32, #tpu.memory_space<vmem>>) offsets(%dma_start3A_32 : memref<80xi32, #tpu.memory_space<vmem>>) semaphore(%arg13 : memref<!tpu.dma_semaphore, #tpu.memory_space<semaphore_mem>>)
      %dma_wait3A_36 = tpu.memref_slice %arg7[%mul3A_23] : memref<10000xi32, #tpu.memory_space<vmem>> -> memref<80xi32, #tpu.memory_space<vmem>>
      %dma_wait3A_37 = arith.constant 0 : i32
      %dma_wait3A_38 = arith.constant 0 : i32
      %dma_wait3A_39 = tpu.memref_slice %arg2[%dma_wait3A_37, %dma_wait3A_38] : memref<10000x128xf32, #tpu.memory_space<hbm>> -> memref<10000x128xf32, #tpu.memory_space<hbm>>
      tpu.wait_indirect_dma semaphore(%arg12 : memref<!tpu.dma_semaphore, #tpu.memory_space<semaphore_mem>>) src(%dma_wait3A_39 : memref<10000x128xf32, #tpu.memory_space<hbm>>) dst(%arg9 : memref<80x128xf32, #tpu.memory_space<vmem>>)
      %dma_start3A_40 = arith.constant 0 : i32
      %dma_start3A_41 = tpu.memref_slice %arg8[%mul3A_21, %dma_start3A_40] : memref<125x80xi32, #tpu.memory_space<vmem>> -> memref<1x80xi32, #tpu.memory_space<vmem>>
      %dma_start3A_42 = tpu.memref_squeeze %dma_start3A_41 : memref<1x80xi32, #tpu.memory_space<vmem>> -> memref<80xi32, #tpu.memory_space<vmem>>
      %dma_start3A_43 = arith.constant 0 : i32
      %dma_start3A_44 = arith.constant 0 : i32
      %dma_start3A_45 = tpu.memref_slice %arg11[%dma_start3A_43, %dma_start3A_44] : memref<10240x128xf32, #tpu.memory_space<vmem_shared>> -> memref<10240x128xf32, #tpu.memory_space<vmem_shared>>
      tpu.enqueue_indirect_dma source(%arg9 : memref<80x128xf32, #tpu.memory_space<vmem>>) target(%dma_start3A_45 : memref<10240x128xf32, #tpu.memory_space<vmem_shared>>) offsets(%dma_start3A_42 : memref<80xi32, #tpu.memory_space<vmem>>) semaphore(%arg14 : memref<!tpu.dma_semaphore, #tpu.memory_space<semaphore_mem>>) {add = true}
      %dma_wait3A_46 = tpu.memref_slice %arg7[%mul3A_31] : memref<10000xi32, #tpu.memory_space<vmem>> -> memref<80xi32, #tpu.memory_space<vmem>>
      %dma_wait3A_47 = arith.constant 0 : i32
      %dma_wait3A_48 = arith.constant 0 : i32
      %dma_wait3A_49 = tpu.memref_slice %arg2[%dma_wait3A_47, %dma_wait3A_48] : memref<10000x128xf32, #tpu.memory_space<hbm>> -> memref<10000x128xf32, #tpu.memory_space<hbm>>
      tpu.wait_indirect_dma semaphore(%arg13 : memref<!tpu.dma_semaphore, #tpu.memory_space<semaphore_mem>>) src(%dma_wait3A_49 : memref<10000x128xf32, #tpu.memory_space<hbm>>) dst(%arg10 : memref<80x128xf32, #tpu.memory_space<vmem>>)
      %add3A_50 = arith.constant 1 : i32
      %add3A_51 = arith.addi %mul3A_21, %add3A_50 : i32
      "tpu.region"() ({
        %run_scoped3A_58 = tpu.sem_alloc : memref<!tpu.dma_semaphore, #tpu.memory_space<semaphore_mem>>
        %dma_start3A_59 = arith.constant 0 : i32
        %dma_start3A_60 = tpu.memref_slice %arg8[%add3A_51, %dma_start3A_59] : memref<125x80xi32, #tpu.memory_space<vmem>> -> memref<1x80xi32, #tpu.memory_space<vmem>>
        %dma_start3A_61 = tpu.memref_squeeze %dma_start3A_60 : memref<1x80xi32, #tpu.memory_space<vmem>> -> memref<80xi32, #tpu.memory_space<vmem>>
        %dma_start3A_62 = arith.constant 0 : i32
        %dma_start3A_63 = arith.constant 0 : i32
        %dma_start3A_64 = tpu.memref_slice %arg11[%dma_start3A_62, %dma_start3A_63] : memref<10240x128xf32, #tpu.memory_space<vmem_shared>> -> memref<10240x128xf32, #tpu.memory_space<vmem_shared>>
        tpu.enqueue_indirect_dma source(%arg10 : memref<80x128xf32, #tpu.memory_space<vmem>>) target(%dma_start3A_64 : memref<10240x128xf32, #tpu.memory_space<vmem_shared>>) offsets(%dma_start3A_61 : memref<80xi32, #tpu.memory_space<vmem>>) semaphore(%run_scoped3A_58 : memref<!tpu.dma_semaphore, #tpu.memory_space<semaphore_mem>>) {add = true}
        %dma_wait3A_65 = arith.constant 0 : i32
        %dma_wait3A_66 = tpu.memref_slice %arg8[%add3A_51, %dma_wait3A_65] : memref<125x80xi32, #tpu.memory_space<vmem>> -> memref<1x80xi32, #tpu.memory_space<vmem>>
        %dma_wait3A_67 = tpu.memref_squeeze %dma_wait3A_66 : memref<1x80xi32, #tpu.memory_space<vmem>> -> memref<80xi32, #tpu.memory_space<vmem>>
        %dma_wait3A_68 = arith.constant 0 : i32
        %dma_wait3A_69 = arith.constant 0 : i32
        %dma_wait3A_70 = tpu.memref_slice %arg11[%dma_wait3A_68, %dma_wait3A_69] : memref<10240x128xf32, #tpu.memory_space<vmem_shared>> -> memref<10240x128xf32, #tpu.memory_space<vmem_shared>>
        tpu.wait_indirect_dma semaphore(%run_scoped3A_58 : memref<!tpu.dma_semaphore, #tpu.memory_space<semaphore_mem>>) src(%arg10 : memref<80x128xf32, #tpu.memory_space<vmem>>) dst(%dma_wait3A_70 : memref<10240x128xf32, #tpu.memory_space<vmem_shared>>)
        tpu.yield
      }) : () -> ()
      %dma_wait3A_52 = arith.constant 0 : i32
      %dma_wait3A_53 = tpu.memref_slice %arg8[%mul3A_21, %dma_wait3A_52] : memref<125x80xi32, #tpu.memory_space<vmem>> -> memref<1x80xi32, #tpu.memory_space<vmem>>
      %dma_wait3A_54 = tpu.memref_squeeze %dma_wait3A_53 : memref<1x80xi32, #tpu.memory_space<vmem>> -> memref<80xi32, #tpu.memory_space<vmem>>
      %dma_wait3A_55 = arith.constant 0 : i32
      %dma_wait3A_56 = arith.constant 0 : i32
      %dma_wait3A_57 = tpu.memref_slice %arg11[%dma_wait3A_55, %dma_wait3A_56] : memref<10240x128xf32, #tpu.memory_space<vmem_shared>> -> memref<10240x128xf32, #tpu.memory_space<vmem_shared>>
      tpu.wait_indirect_dma semaphore(%arg14 : memref<!tpu.dma_semaphore, #tpu.memory_space<semaphore_mem>>) src(%arg9 : memref<80x128xf32, #tpu.memory_space<vmem>>) dst(%dma_wait3A_57 : memref<10240x128xf32, #tpu.memory_space<vmem_shared>>)
    }
    %scan3A_7 = arith.constant 62 : i32
    %dma_start3A = arith.constant 9920 : i32
    %dma_start3A_8 = tpu.memref_slice %arg7[%dma_start3A] : memref<10000xi32, #tpu.memory_space<vmem>> -> memref<80xi32, #tpu.memory_space<vmem>>
    %dma_start3A_9 = arith.constant 0 : i32
    %dma_start3A_10 = arith.constant 0 : i32
    %dma_start3A_11 = tpu.memref_slice %arg2[%dma_start3A_9, %dma_start3A_10] : memref<10000x128xf32, #tpu.memory_space<hbm>> -> memref<10000x128xf32, #tpu.memory_space<hbm>>
    tpu.enqueue_indirect_dma source(%dma_start3A_11 : memref<10000x128xf32, #tpu.memory_space<hbm>>) target(%arg9 : memref<80x128xf32, #tpu.memory_space<vmem>>) offsets(%dma_start3A_8 : memref<80xi32, #tpu.memory_space<vmem>>) semaphore(%arg12 : memref<!tpu.dma_semaphore, #tpu.memory_space<semaphore_mem>>)
    %dma_wait3A = arith.constant 9920 : i32
    %dma_wait3A_12 = tpu.memref_slice %arg7[%dma_wait3A] : memref<10000xi32, #tpu.memory_space<vmem>> -> memref<80xi32, #tpu.memory_space<vmem>>
    %dma_wait3A_13 = arith.constant 0 : i32
    %dma_wait3A_14 = arith.constant 0 : i32
    %dma_wait3A_15 = tpu.memref_slice %arg2[%dma_wait3A_13, %dma_wait3A_14] : memref<10000x128xf32, #tpu.memory_space<hbm>> -> memref<10000x128xf32, #tpu.memory_space<hbm>>
    tpu.wait_indirect_dma semaphore(%arg12 : memref<!tpu.dma_semaphore, #tpu.memory_space<semaphore_mem>>) src(%dma_wait3A_15 : memref<10000x128xf32, #tpu.memory_space<hbm>>) dst(%arg9 : memref<80x128xf32, #tpu.memory_space<vmem>>)
    %run_scoped3A = arith.constant 124 : i32
    "tpu.region"() ({
      %run_scoped3A_19 = tpu.sem_alloc : memref<!tpu.dma_semaphore, #tpu.memory_space<semaphore_mem>>
      %dma_start3A_20 = arith.constant 0 : i32
      %dma_start3A_21 = tpu.memref_slice %arg8[%run_scoped3A, %dma_start3A_20] : memref<125x80xi32, #tpu.memory_space<vmem>> -> memref<1x80xi32, #tpu.memory_space<vmem>>
      %dma_start3A_22 = tpu.memref_squeeze %dma_start3A_21 : memref<1x80xi32, #tpu.memory_space<vmem>> -> memref<80xi32, #tpu.memory_space<vmem>>
      %dma_start3A_23 = arith.constant 0 : i32
      %dma_start3A_24 = arith.constant 0 : i32
      %dma_start3A_25 = tpu.memref_slice %arg11[%dma_start3A_23, %dma_start3A_24] : memref<10240x128xf32, #tpu.memory_space<vmem_shared>> -> memref<10240x128xf32, #tpu.memory_space<vmem_shared>>
      tpu.enqueue_indirect_dma source(%arg9 : memref<80x128xf32, #tpu.memory_space<vmem>>) target(%dma_start3A_25 : memref<10240x128xf32, #tpu.memory_space<vmem_shared>>) offsets(%dma_start3A_22 : memref<80xi32, #tpu.memory_space<vmem>>) semaphore(%run_scoped3A_19 : memref<!tpu.dma_semaphore, #tpu.memory_space<semaphore_mem>>) {add = true}
      %dma_wait3A_26 = arith.constant 0 : i32
      %dma_wait3A_27 = tpu.memref_slice %arg8[%run_scoped3A, %dma_wait3A_26] : memref<125x80xi32, #tpu.memory_space<vmem>> -> memref<1x80xi32, #tpu.memory_space<vmem>>
      %dma_wait3A_28 = tpu.memref_squeeze %dma_wait3A_27 : memref<1x80xi32, #tpu.memory_space<vmem>> -> memref<80xi32, #tpu.memory_space<vmem>>
      %dma_wait3A_29 = arith.constant 0 : i32
      %dma_wait3A_30 = arith.constant 0 : i32
      %dma_wait3A_31 = tpu.memref_slice %arg11[%dma_wait3A_29, %dma_wait3A_30] : memref<10240x128xf32, #tpu.memory_space<vmem_shared>> -> memref<10240x128xf32, #tpu.memory_space<vmem_shared>>
      tpu.wait_indirect_dma semaphore(%run_scoped3A_19 : memref<!tpu.dma_semaphore, #tpu.memory_space<semaphore_mem>>) src(%arg9 : memref<80x128xf32, #tpu.memory_space<vmem>>) dst(%dma_wait3A_31 : memref<10240x128xf32, #tpu.memory_space<vmem_shared>>)
      tpu.yield
    }) : () -> ()
    %barrier3A_16 = arith.constant 0 : index
    tpu.barrier barrier_id(%barrier3A_16)
    %mul3A_17 = arith.constant 640 : i32
    %mul3A_18 = arith.muli %arg1, %mul3A_17 : i32
    "tpu.region"() ({
      %run_scoped3A_19 = tpu.sem_alloc : memref<!tpu.dma_semaphore, #tpu.memory_space<semaphore_mem>>
      %dma_start3A_20 = arith.constant 0 : i32
      %dma_start3A_21 = tpu.memref_slice %arg6[%arg0, %mul3A_18, %dma_start3A_20] : memref<2x10240x128xf32, #tpu.memory_space<hbm>> -> memref<1x640x128xf32, #tpu.memory_space<hbm>>
      %dma_start3A_22 = tpu.memref_squeeze %dma_start3A_21 : memref<1x640x128xf32, #tpu.memory_space<hbm>> -> memref<640x128xf32, #tpu.memory_space<hbm>>
      %dma_start3A_23 = arith.constant 0 : i32
      %dma_start3A_24 = tpu.memref_slice %arg11[%mul3A_18, %dma_start3A_23] : memref<10240x128xf32, #tpu.memory_space<vmem_shared>> -> memref<640x128xf32, #tpu.memory_space<vmem_shared>>
      tpu.enqueue_dma source(%dma_start3A_24 : memref<640x128xf32, #tpu.memory_space<vmem_shared>>) target(%dma_start3A_22 : memref<640x128xf32, #tpu.memory_space<hbm>>) target_semaphore(%run_scoped3A_19 : memref<!tpu.dma_semaphore, #tpu.memory_space<semaphore_mem>>)
      %dma_wait3A_25 = arith.constant 0 : i32
      %dma_wait3A_26 = tpu.memref_slice %arg6[%arg0, %mul3A_18, %dma_wait3A_25] : memref<2x10240x128xf32, #tpu.memory_space<hbm>> -> memref<1x640x128xf32, #tpu.memory_space<hbm>>
      %dma_wait3A_27 = tpu.memref_squeeze %dma_wait3A_26 : memref<1x640x128xf32, #tpu.memory_space<hbm>> -> memref<640x128xf32, #tpu.memory_space<hbm>>
      %dma_wait3A_28 = arith.constant 0 : i32
      %dma_wait3A_29 = tpu.memref_slice %arg11[%mul3A_18, %dma_wait3A_28] : memref<10240x128xf32, #tpu.memory_space<vmem_shared>> -> memref<640x128xf32, #tpu.memory_space<vmem_shared>>
      tpu.wait_dma2 semaphore(%run_scoped3A_19 : memref<!tpu.dma_semaphore, #tpu.memory_space<semaphore_mem>>) src(%dma_wait3A_29 : memref<640x128xf32, #tpu.memory_space<vmem_shared>>) dst(%dma_wait3A_27 : memref<640x128xf32, #tpu.memory_space<hbm>>)
      tpu.yield
    }) : () -> ()
    return
  }
}

module attributes {stable_mosaic.version = 14 : i64} {
  func.func @_lin_body(%arg0: i32, %arg1: memref<1024x128xf32, #tpu.memory_space<vmem>>, %arg2: memref<128x128xf32, #tpu.memory_space<vmem>>, %arg3: memref<1x128xf32, #tpu.memory_space<vmem>>, %arg4: memref<2x32x8x128xf32, #tpu.memory_space<vmem>>, %arg5: memref<1024x128xf32, #tpu.memory_space<vmem>>) attributes {dimension_semantics = [#tpu.dimension_semantics<arbitrary>], iteration_bounds = array<i64: 10>, scalar_prefetch = 0 : i64, scratch_operands = 0 : i64, tpu.core_type = #tpu.core_type<tc>, window_params = [{transform_indices = @transform_0, window_bounds = array<i64: 1024, 128>}, {pipeline_mode = #tpu.pipeline_mode<synchronous>, transform_indices = @transform_1, window_bounds = array<i64: 128, 128>}, {pipeline_mode = #tpu.pipeline_mode<synchronous>, transform_indices = @transform_2, window_bounds = array<i64: 1, 128>}, {transform_indices = @transform_3, window_bounds = array<i64: 2, 32, 8, 128>}, {transform_indices = @transform_4, window_bounds = array<i64: 1024, 128>}]} {
    %get3A = arith.constant 0 : index
    %get3A_0 = arith.constant 0 : index
    %get3A_1 = vector.load %arg1[%get3A, %get3A_0] : memref<1024x128xf32, #tpu.memory_space<vmem>>, vector<1024x128xf32>
    %get3A_2 = arith.constant 0 : index
    %get3A_3 = arith.constant 0 : index
    %get3A_4 = vector.load %arg2[%get3A_2, %get3A_3] : memref<128x128xf32, #tpu.memory_space<vmem>>, vector<128x128xf32>
    %dot_general3A = arith.constant dense<0.000000e+00> : vector<1024x128xf32>
    %dot_general3A_5 = tpu.matmul %get3A_1, %get3A_4, %dot_general3A {dimension_numbers = #tpu.dot_dimension_numbers<[1], [0], [0], [1], [0, 0, 1, 1], [], []>, transpose_lhs_hint = false} : vector<1024x128xf32>, vector<128x128xf32>, vector<1024x128xf32> -> vector<1024x128xf32>
    %get3A_6 = arith.constant 0 : index
    %get3A_7 = arith.constant 0 : index
    %get3A_8 = vector.load %arg3[%get3A_6, %get3A_7] : memref<1x128xf32, #tpu.memory_space<vmem>>, vector<1x128xf32>
    %add3A = vector.broadcast %get3A_8 : vector<1x128xf32> to vector<1024x128xf32>
    %add3A_9 = arith.addf %dot_general3A_5, %add3A : vector<1024x128xf32>
    %get3A_10 = arith.constant 0 : index
    %get3A_11 = arith.constant 0 : index
    %get3A_12 = arith.constant 0 : index
    %get3A_13 = arith.constant 0 : index
    %get3A_14 = vector.load %arg4[%get3A_10, %get3A_11, %get3A_12, %get3A_13] : memref<2x32x8x128xf32, #tpu.memory_space<vmem>>, vector<2x32x8x128xf32>
    %reduce_sum3A = arith.constant dense<0.000000e+00> : vector<2x8x128xf32>
    %reduce_sum3A_15 = vector.multi_reduction <add>, %get3A_14, %reduce_sum3A [1] : vector<2x32x8x128xf32> to vector<2x8x128xf32>
    %slice3A = vector.extract_strided_slice %reduce_sum3A_15 {offsets = [0, 0, 0], sizes = [1, 8, 128], strides = [1, 1, 1]} : vector<2x8x128xf32> to vector<1x8x128xf32>
    %squeeze3A = vector.shape_cast %slice3A : vector<1x8x128xf32> to vector<8x128xf32>
    %iota3A = tpu.iota {dimensions = array<i32: 0>} : vector<128x128xi32>
    %iota3A_16 = tpu.iota {dimensions = array<i32: 1>} : vector<128x128xi32>
    %eq3A = arith.cmpi eq, %iota3A, %iota3A_16 : vector<128x128xi32>
    %convert_element_type3A = arith.extui %eq3A : vector<128x128xi1> to vector<128x128xi32>
    %convert_element_type3A_17 = arith.sitofp %convert_element_type3A : vector<128x128xi32> to vector<128x128xf32>
    %slice3A_18 = vector.extract_strided_slice %squeeze3A {offsets = [0, 0], sizes = [1, 128], strides = [1, 1]} : vector<8x128xf32> to vector<1x128xf32>
    %broadcast_in_dim3A = vector.shape_cast %slice3A_18 : vector<1x128xf32> to vector<1x128xf32>
    %broadcast_in_dim3A_19 = vector.broadcast %broadcast_in_dim3A : vector<1x128xf32> to vector<128x128xf32>
    %mul3A = arith.mulf %broadcast_in_dim3A_19, %convert_element_type3A_17 : vector<128x128xf32>
    %reduce_sum3A_20 = arith.constant dense<0.000000e+00> : vector<128xf32>
    %reduce_sum3A_21 = vector.multi_reduction <add>, %mul3A, %reduce_sum3A_20 [1] : vector<128x128xf32> to vector<128xf32>
    %broadcast_in_dim3A_22 = vector.shape_cast %reduce_sum3A_21 : vector<128xf32> to vector<128x1xf32>
    %slice3A_23 = vector.extract_strided_slice %squeeze3A {offsets = [1, 0], sizes = [1, 128], strides = [1, 1]} : vector<8x128xf32> to vector<1x128xf32>
    %broadcast_in_dim3A_24 = vector.shape_cast %slice3A_23 : vector<1x128xf32> to vector<1x128xf32>
    %broadcast_in_dim3A_25 = vector.broadcast %broadcast_in_dim3A_24 : vector<1x128xf32> to vector<128x128xf32>
    %mul3A_26 = arith.mulf %broadcast_in_dim3A_25, %convert_element_type3A_17 : vector<128x128xf32>
    %reduce_sum3A_27 = arith.constant dense<0.000000e+00> : vector<128xf32>
    %reduce_sum3A_28 = vector.multi_reduction <add>, %mul3A_26, %reduce_sum3A_27 [1] : vector<128x128xf32> to vector<128xf32>
    %broadcast_in_dim3A_29 = vector.shape_cast %reduce_sum3A_28 : vector<128xf32> to vector<128x1xf32>
    %slice3A_30 = vector.extract_strided_slice %squeeze3A {offsets = [2, 0], sizes = [1, 128], strides = [1, 1]} : vector<8x128xf32> to vector<1x128xf32>
    %broadcast_in_dim3A_31 = vector.shape_cast %slice3A_30 : vector<1x128xf32> to vector<1x128xf32>
    %broadcast_in_dim3A_32 = vector.broadcast %broadcast_in_dim3A_31 : vector<1x128xf32> to vector<128x128xf32>
    %mul3A_33 = arith.mulf %broadcast_in_dim3A_32, %convert_element_type3A_17 : vector<128x128xf32>
    %reduce_sum3A_34 = arith.constant dense<0.000000e+00> : vector<128xf32>
    %reduce_sum3A_35 = vector.multi_reduction <add>, %mul3A_33, %reduce_sum3A_34 [1] : vector<128x128xf32> to vector<128xf32>
    %broadcast_in_dim3A_36 = vector.shape_cast %reduce_sum3A_35 : vector<128xf32> to vector<128x1xf32>
    %slice3A_37 = vector.extract_strided_slice %squeeze3A {offsets = [3, 0], sizes = [1, 128], strides = [1, 1]} : vector<8x128xf32> to vector<1x128xf32>
    %broadcast_in_dim3A_38 = vector.shape_cast %slice3A_37 : vector<1x128xf32> to vector<1x128xf32>
    %broadcast_in_dim3A_39 = vector.broadcast %broadcast_in_dim3A_38 : vector<1x128xf32> to vector<128x128xf32>
    %mul3A_40 = arith.mulf %broadcast_in_dim3A_39, %convert_element_type3A_17 : vector<128x128xf32>
    %reduce_sum3A_41 = arith.constant dense<0.000000e+00> : vector<128xf32>
    %reduce_sum3A_42 = vector.multi_reduction <add>, %mul3A_40, %reduce_sum3A_41 [1] : vector<128x128xf32> to vector<128xf32>
    %broadcast_in_dim3A_43 = vector.shape_cast %reduce_sum3A_42 : vector<128xf32> to vector<128x1xf32>
    %slice3A_44 = vector.extract_strided_slice %squeeze3A {offsets = [4, 0], sizes = [1, 128], strides = [1, 1]} : vector<8x128xf32> to vector<1x128xf32>
    %broadcast_in_dim3A_45 = vector.shape_cast %slice3A_44 : vector<1x128xf32> to vector<1x128xf32>
    %broadcast_in_dim3A_46 = vector.broadcast %broadcast_in_dim3A_45 : vector<1x128xf32> to vector<128x128xf32>
    %mul3A_47 = arith.mulf %broadcast_in_dim3A_46, %convert_element_type3A_17 : vector<128x128xf32>
    %reduce_sum3A_48 = arith.constant dense<0.000000e+00> : vector<128xf32>
    %reduce_sum3A_49 = vector.multi_reduction <add>, %mul3A_47, %reduce_sum3A_48 [1] : vector<128x128xf32> to vector<128xf32>
    %broadcast_in_dim3A_50 = vector.shape_cast %reduce_sum3A_49 : vector<128xf32> to vector<128x1xf32>
    %slice3A_51 = vector.extract_strided_slice %squeeze3A {offsets = [5, 0], sizes = [1, 128], strides = [1, 1]} : vector<8x128xf32> to vector<1x128xf32>
    %broadcast_in_dim3A_52 = vector.shape_cast %slice3A_51 : vector<1x128xf32> to vector<1x128xf32>
    %broadcast_in_dim3A_53 = vector.broadcast %broadcast_in_dim3A_52 : vector<1x128xf32> to vector<128x128xf32>
    %mul3A_54 = arith.mulf %broadcast_in_dim3A_53, %convert_element_type3A_17 : vector<128x128xf32>
    %reduce_sum3A_55 = arith.constant dense<0.000000e+00> : vector<128xf32>
    %reduce_sum3A_56 = vector.multi_reduction <add>, %mul3A_54, %reduce_sum3A_55 [1] : vector<128x128xf32> to vector<128xf32>
    %broadcast_in_dim3A_57 = vector.shape_cast %reduce_sum3A_56 : vector<128xf32> to vector<128x1xf32>
    %slice3A_58 = vector.extract_strided_slice %squeeze3A {offsets = [6, 0], sizes = [1, 128], strides = [1, 1]} : vector<8x128xf32> to vector<1x128xf32>
    %broadcast_in_dim3A_59 = vector.shape_cast %slice3A_58 : vector<1x128xf32> to vector<1x128xf32>
    %broadcast_in_dim3A_60 = vector.broadcast %broadcast_in_dim3A_59 : vector<1x128xf32> to vector<128x128xf32>
    %mul3A_61 = arith.mulf %broadcast_in_dim3A_60, %convert_element_type3A_17 : vector<128x128xf32>
    %reduce_sum3A_62 = arith.constant dense<0.000000e+00> : vector<128xf32>
    %reduce_sum3A_63 = vector.multi_reduction <add>, %mul3A_61, %reduce_sum3A_62 [1] : vector<128x128xf32> to vector<128xf32>
    %broadcast_in_dim3A_64 = vector.shape_cast %reduce_sum3A_63 : vector<128xf32> to vector<128x1xf32>
    %slice3A_65 = vector.extract_strided_slice %squeeze3A {offsets = [7, 0], sizes = [1, 128], strides = [1, 1]} : vector<8x128xf32> to vector<1x128xf32>
    %broadcast_in_dim3A_66 = vector.shape_cast %slice3A_65 : vector<1x128xf32> to vector<1x128xf32>
    %broadcast_in_dim3A_67 = vector.broadcast %broadcast_in_dim3A_66 : vector<1x128xf32> to vector<128x128xf32>
    %mul3A_68 = arith.mulf %broadcast_in_dim3A_67, %convert_element_type3A_17 : vector<128x128xf32>
    %reduce_sum3A_69 = arith.constant dense<0.000000e+00> : vector<128xf32>
    %reduce_sum3A_70 = vector.multi_reduction <add>, %mul3A_68, %reduce_sum3A_69 [1] : vector<128x128xf32> to vector<128xf32>
    %broadcast_in_dim3A_71 = vector.shape_cast %reduce_sum3A_70 : vector<128xf32> to vector<128x1xf32>
    %concatenate3A = tpu.concatenate %broadcast_in_dim3A_22, %broadcast_in_dim3A_29, %broadcast_in_dim3A_36, %broadcast_in_dim3A_43, %broadcast_in_dim3A_50, %broadcast_in_dim3A_57, %broadcast_in_dim3A_64, %broadcast_in_dim3A_71 in 0 : vector<128x1xf32>, vector<128x1xf32>, vector<128x1xf32>, vector<128x1xf32>, vector<128x1xf32>, vector<128x1xf32>, vector<128x1xf32>, vector<128x1xf32> -> vector<1024x1xf32>
    %gt3A = arith.constant 0.000000e+00 : f32
    %gt3A_72 = vector.broadcast %gt3A : f32 to vector<1024x1xf32>
    %gt3A_73 = arith.cmpf ogt, %concatenate3A, %gt3A_72 : vector<1024x1xf32>
    %rsqrt3A = math.rsqrt %concatenate3A : vector<1024x1xf32>
    %jit3A = arith.constant 0.000000e+00 : f32
    %broadcast_in_dim3A_74 = vector.broadcast %jit3A : f32 to vector<1024x1xf32>
    %select_n3A = arith.select %gt3A_73, %rsqrt3A, %broadcast_in_dim3A_74 : vector<1024x1xi1>, vector<1024x1xf32>
    %mul3A_75 = vector.broadcast %select_n3A : vector<1024x1xf32> to vector<1024x128xf32>
    %mul3A_76 = arith.mulf %add3A_9, %mul3A_75 : vector<1024x128xf32>
    %swap3A = arith.constant 0 : index
    %swap3A_77 = arith.constant 0 : index
    %swap3A_78 = vector.load %arg5[%swap3A, %swap3A_77] : memref<1024x128xf32, #tpu.memory_space<vmem>>, vector<1024x128xf32>
    tpu.vector_store %arg5[%swap3A, %swap3A_77], %mul3A_76 {strides = array<i32>} : memref<1024x128xf32, #tpu.memory_space<vmem>>, vector<1024x128xf32>,
    return
  }
  func.func @transform_0(%arg0: i32) -> (i32, i32) {
    %c0_i32 = arith.constant 0 : i32
    %c0_i32_0 = arith.constant 0 : i32
    return %arg0, %c0_i32 : i32, i32
  }
  func.func @transform_1(%arg0: i32) -> (i32, i32) {
    %c0_i32 = arith.constant 0 : i32
    %c0_i32_0 = arith.constant 0 : i32
    %c0_i32_1 = arith.constant 0 : i32
    return %c0_i32, %c0_i32_0 : i32, i32
  }
  func.func @transform_2(%arg0: i32) -> (i32, i32) {
    %c0_i32 = arith.constant 0 : i32
    %c0_i32_0 = arith.constant 0 : i32
    %c0_i32_1 = arith.constant 0 : i32
    return %c0_i32, %c0_i32_0 : i32, i32
  }
  func.func @transform_3(%arg0: i32) -> (i32, i32, i32, i32) {
    %c0_i32 = arith.constant 0 : i32
    %c0_i32_0 = arith.constant 0 : i32
    %c0_i32_1 = arith.constant 0 : i32
    %c0_i32_2 = arith.constant 0 : i32
    return %c0_i32, %c0_i32_0, %arg0, %c0_i32_1 : i32, i32, i32, i32
  }
  func.func @transform_4(%arg0: i32) -> (i32, i32) {
    %c0_i32 = arith.constant 0 : i32
    %c0_i32_0 = arith.constant 0 : i32
    return %arg0, %c0_i32 : i32, i32
  }
}

module attributes {stable_mosaic.version = 14 : i64} {
  func.func @_comb_body(%arg0: i32, %arg1: memref<2x1024x128xf32, #tpu.memory_space<vmem>>, %arg2: memref<2x32x8x128xf32, #tpu.memory_space<vmem>>, %arg3: memref<1024x128xf32, #tpu.memory_space<vmem>>) attributes {dimension_semantics = [#tpu.dimension_semantics<arbitrary>], iteration_bounds = array<i64: 10>, scalar_prefetch = 0 : i64, scratch_operands = 0 : i64, tpu.core_type = #tpu.core_type<tc>, window_params = [{transform_indices = @transform_0, window_bounds = array<i64: 2, 1024, 128>}, {transform_indices = @transform_1, window_bounds = array<i64: 2, 32, 8, 128>}, {transform_indices = @transform_2, window_bounds = array<i64: 1024, 128>}]} {
    %get3A = arith.constant 0 : index
    %get3A_0 = arith.constant 0 : index
    %get3A_1 = arith.constant 0 : index
    %get3A_2 = arith.constant 0 : index
    %get3A_3 = vector.load %arg2[%get3A, %get3A_0, %get3A_1, %get3A_2] : memref<2x32x8x128xf32, #tpu.memory_space<vmem>>, vector<2x32x8x128xf32>
    %reduce_sum3A = arith.constant dense<0.000000e+00> : vector<2x8x128xf32>
    %reduce_sum3A_4 = vector.multi_reduction <add>, %get3A_3, %reduce_sum3A [1] : vector<2x32x8x128xf32> to vector<2x8x128xf32>
    %slice3A = vector.extract_strided_slice %reduce_sum3A_4 {offsets = [1, 0, 0], sizes = [1, 8, 128], strides = [1, 1, 1]} : vector<2x8x128xf32> to vector<1x8x128xf32>
    %squeeze3A = vector.shape_cast %slice3A : vector<1x8x128xf32> to vector<8x128xf32>
    %iota3A = tpu.iota {dimensions = array<i32: 0>} : vector<128x128xi32>
    %iota3A_5 = tpu.iota {dimensions = array<i32: 1>} : vector<128x128xi32>
    %eq3A = arith.cmpi eq, %iota3A, %iota3A_5 : vector<128x128xi32>
    %convert_element_type3A = arith.extui %eq3A : vector<128x128xi1> to vector<128x128xi32>
    %convert_element_type3A_6 = arith.sitofp %convert_element_type3A : vector<128x128xi32> to vector<128x128xf32>
    %slice3A_7 = vector.extract_strided_slice %squeeze3A {offsets = [0, 0], sizes = [1, 128], strides = [1, 1]} : vector<8x128xf32> to vector<1x128xf32>
    %broadcast_in_dim3A = vector.shape_cast %slice3A_7 : vector<1x128xf32> to vector<1x128xf32>
    %broadcast_in_dim3A_8 = vector.broadcast %broadcast_in_dim3A : vector<1x128xf32> to vector<128x128xf32>
    %mul3A = arith.mulf %broadcast_in_dim3A_8, %convert_element_type3A_6 : vector<128x128xf32>
    %reduce_sum3A_9 = arith.constant dense<0.000000e+00> : vector<128xf32>
    %reduce_sum3A_10 = vector.multi_reduction <add>, %mul3A, %reduce_sum3A_9 [1] : vector<128x128xf32> to vector<128xf32>
    %broadcast_in_dim3A_11 = vector.shape_cast %reduce_sum3A_10 : vector<128xf32> to vector<128x1xf32>
    %slice3A_12 = vector.extract_strided_slice %squeeze3A {offsets = [1, 0], sizes = [1, 128], strides = [1, 1]} : vector<8x128xf32> to vector<1x128xf32>
    %broadcast_in_dim3A_13 = vector.shape_cast %slice3A_12 : vector<1x128xf32> to vector<1x128xf32>
    %broadcast_in_dim3A_14 = vector.broadcast %broadcast_in_dim3A_13 : vector<1x128xf32> to vector<128x128xf32>
    %mul3A_15 = arith.mulf %broadcast_in_dim3A_14, %convert_element_type3A_6 : vector<128x128xf32>
    %reduce_sum3A_16 = arith.constant dense<0.000000e+00> : vector<128xf32>
    %reduce_sum3A_17 = vector.multi_reduction <add>, %mul3A_15, %reduce_sum3A_16 [1] : vector<128x128xf32> to vector<128xf32>
    %broadcast_in_dim3A_18 = vector.shape_cast %reduce_sum3A_17 : vector<128xf32> to vector<128x1xf32>
    %slice3A_19 = vector.extract_strided_slice %squeeze3A {offsets = [2, 0], sizes = [1, 128], strides = [1, 1]} : vector<8x128xf32> to vector<1x128xf32>
    %broadcast_in_dim3A_20 = vector.shape_cast %slice3A_19 : vector<1x128xf32> to vector<1x128xf32>
    %broadcast_in_dim3A_21 = vector.broadcast %broadcast_in_dim3A_20 : vector<1x128xf32> to vector<128x128xf32>
    %mul3A_22 = arith.mulf %broadcast_in_dim3A_21, %convert_element_type3A_6 : vector<128x128xf32>
    %reduce_sum3A_23 = arith.constant dense<0.000000e+00> : vector<128xf32>
    %reduce_sum3A_24 = vector.multi_reduction <add>, %mul3A_22, %reduce_sum3A_23 [1] : vector<128x128xf32> to vector<128xf32>
    %broadcast_in_dim3A_25 = vector.shape_cast %reduce_sum3A_24 : vector<128xf32> to vector<128x1xf32>
    %slice3A_26 = vector.extract_strided_slice %squeeze3A {offsets = [3, 0], sizes = [1, 128], strides = [1, 1]} : vector<8x128xf32> to vector<1x128xf32>
    %broadcast_in_dim3A_27 = vector.shape_cast %slice3A_26 : vector<1x128xf32> to vector<1x128xf32>
    %broadcast_in_dim3A_28 = vector.broadcast %broadcast_in_dim3A_27 : vector<1x128xf32> to vector<128x128xf32>
    %mul3A_29 = arith.mulf %broadcast_in_dim3A_28, %convert_element_type3A_6 : vector<128x128xf32>
    %reduce_sum3A_30 = arith.constant dense<0.000000e+00> : vector<128xf32>
    %reduce_sum3A_31 = vector.multi_reduction <add>, %mul3A_29, %reduce_sum3A_30 [1] : vector<128x128xf32> to vector<128xf32>
    %broadcast_in_dim3A_32 = vector.shape_cast %reduce_sum3A_31 : vector<128xf32> to vector<128x1xf32>
    %slice3A_33 = vector.extract_strided_slice %squeeze3A {offsets = [4, 0], sizes = [1, 128], strides = [1, 1]} : vector<8x128xf32> to vector<1x128xf32>
    %broadcast_in_dim3A_34 = vector.shape_cast %slice3A_33 : vector<1x128xf32> to vector<1x128xf32>
    %broadcast_in_dim3A_35 = vector.broadcast %broadcast_in_dim3A_34 : vector<1x128xf32> to vector<128x128xf32>
    %mul3A_36 = arith.mulf %broadcast_in_dim3A_35, %convert_element_type3A_6 : vector<128x128xf32>
    %reduce_sum3A_37 = arith.constant dense<0.000000e+00> : vector<128xf32>
    %reduce_sum3A_38 = vector.multi_reduction <add>, %mul3A_36, %reduce_sum3A_37 [1] : vector<128x128xf32> to vector<128xf32>
    %broadcast_in_dim3A_39 = vector.shape_cast %reduce_sum3A_38 : vector<128xf32> to vector<128x1xf32>
    %slice3A_40 = vector.extract_strided_slice %squeeze3A {offsets = [5, 0], sizes = [1, 128], strides = [1, 1]} : vector<8x128xf32> to vector<1x128xf32>
    %broadcast_in_dim3A_41 = vector.shape_cast %slice3A_40 : vector<1x128xf32> to vector<1x128xf32>
    %broadcast_in_dim3A_42 = vector.broadcast %broadcast_in_dim3A_41 : vector<1x128xf32> to vector<128x128xf32>
    %mul3A_43 = arith.mulf %broadcast_in_dim3A_42, %convert_element_type3A_6 : vector<128x128xf32>
    %reduce_sum3A_44 = arith.constant dense<0.000000e+00> : vector<128xf32>
    %reduce_sum3A_45 = vector.multi_reduction <add>, %mul3A_43, %reduce_sum3A_44 [1] : vector<128x128xf32> to vector<128xf32>
    %broadcast_in_dim3A_46 = vector.shape_cast %reduce_sum3A_45 : vector<128xf32> to vector<128x1xf32>
    %slice3A_47 = vector.extract_strided_slice %squeeze3A {offsets = [6, 0], sizes = [1, 128], strides = [1, 1]} : vector<8x128xf32> to vector<1x128xf32>
    %broadcast_in_dim3A_48 = vector.shape_cast %slice3A_47 : vector<1x128xf32> to vector<1x128xf32>
    %broadcast_in_dim3A_49 = vector.broadcast %broadcast_in_dim3A_48 : vector<1x128xf32> to vector<128x128xf32>
    %mul3A_50 = arith.mulf %broadcast_in_dim3A_49, %convert_element_type3A_6 : vector<128x128xf32>
    %reduce_sum3A_51 = arith.constant dense<0.000000e+00> : vector<128xf32>
    %reduce_sum3A_52 = vector.multi_reduction <add>, %mul3A_50, %reduce_sum3A_51 [1] : vector<128x128xf32> to vector<128xf32>
    %broadcast_in_dim3A_53 = vector.shape_cast %reduce_sum3A_52 : vector<128xf32> to vector<128x1xf32>
    %slice3A_54 = vector.extract_strided_slice %squeeze3A {offsets = [7, 0], sizes = [1, 128], strides = [1, 1]} : vector<8x128xf32> to vector<1x128xf32>
    %broadcast_in_dim3A_55 = vector.shape_cast %slice3A_54 : vector<1x128xf32> to vector<1x128xf32>
    %broadcast_in_dim3A_56 = vector.broadcast %broadcast_in_dim3A_55 : vector<1x128xf32> to vector<128x128xf32>
    %mul3A_57 = arith.mulf %broadcast_in_dim3A_56, %convert_element_type3A_6 : vector<128x128xf32>
    %reduce_sum3A_58 = arith.constant dense<0.000000e+00> : vector<128xf32>
    %reduce_sum3A_59 = vector.multi_reduction <add>, %mul3A_57, %reduce_sum3A_58 [1] : vector<128x128xf32> to vector<128xf32>
    %broadcast_in_dim3A_60 = vector.shape_cast %reduce_sum3A_59 : vector<128xf32> to vector<128x1xf32>
    %concatenate3A = tpu.concatenate %broadcast_in_dim3A_11, %broadcast_in_dim3A_18, %broadcast_in_dim3A_25, %broadcast_in_dim3A_32, %broadcast_in_dim3A_39, %broadcast_in_dim3A_46, %broadcast_in_dim3A_53, %broadcast_in_dim3A_60 in 0 : vector<128x1xf32>, vector<128x1xf32>, vector<128x1xf32>, vector<128x1xf32>, vector<128x1xf32>, vector<128x1xf32>, vector<128x1xf32>, vector<128x1xf32> -> vector<1024x1xf32>
    %gt3A = arith.constant 0.000000e+00 : f32
    %gt3A_61 = vector.broadcast %gt3A : f32 to vector<1024x1xf32>
    %gt3A_62 = arith.cmpf ogt, %concatenate3A, %gt3A_61 : vector<1024x1xf32>
    %rsqrt3A = math.rsqrt %concatenate3A : vector<1024x1xf32>
    %jit3A = arith.constant 0.000000e+00 : f32
    %broadcast_in_dim3A_63 = vector.broadcast %jit3A : f32 to vector<1024x1xf32>
    %select_n3A = arith.select %gt3A_62, %rsqrt3A, %broadcast_in_dim3A_63 : vector<1024x1xi1>, vector<1024x1xf32>
    %slice3A_64 = vector.extract_strided_slice %reduce_sum3A_4 {offsets = [0, 0, 0], sizes = [1, 8, 128], strides = [1, 1, 1]} : vector<2x8x128xf32> to vector<1x8x128xf32>
    %squeeze3A_65 = vector.shape_cast %slice3A_64 : vector<1x8x128xf32> to vector<8x128xf32>
    %iota3A_66 = tpu.iota {dimensions = array<i32: 0>} : vector<128x128xi32>
    %iota3A_67 = tpu.iota {dimensions = array<i32: 1>} : vector<128x128xi32>
    %eq3A_68 = arith.cmpi eq, %iota3A_66, %iota3A_67 : vector<128x128xi32>
    %convert_element_type3A_69 = arith.extui %eq3A_68 : vector<128x128xi1> to vector<128x128xi32>
    %convert_element_type3A_70 = arith.sitofp %convert_element_type3A_69 : vector<128x128xi32> to vector<128x128xf32>
    %slice3A_71 = vector.extract_strided_slice %squeeze3A_65 {offsets = [0, 0], sizes = [1, 128], strides = [1, 1]} : vector<8x128xf32> to vector<1x128xf32>
    %broadcast_in_dim3A_72 = vector.shape_cast %slice3A_71 : vector<1x128xf32> to vector<1x128xf32>
    %broadcast_in_dim3A_73 = vector.broadcast %broadcast_in_dim3A_72 : vector<1x128xf32> to vector<128x128xf32>
    %mul3A_74 = arith.mulf %broadcast_in_dim3A_73, %convert_element_type3A_70 : vector<128x128xf32>
    %reduce_sum3A_75 = arith.constant dense<0.000000e+00> : vector<128xf32>
    %reduce_sum3A_76 = vector.multi_reduction <add>, %mul3A_74, %reduce_sum3A_75 [1] : vector<128x128xf32> to vector<128xf32>
    %broadcast_in_dim3A_77 = vector.shape_cast %reduce_sum3A_76 : vector<128xf32> to vector<128x1xf32>
    %slice3A_78 = vector.extract_strided_slice %squeeze3A_65 {offsets = [1, 0], sizes = [1, 128], strides = [1, 1]} : vector<8x128xf32> to vector<1x128xf32>
    %broadcast_in_dim3A_79 = vector.shape_cast %slice3A_78 : vector<1x128xf32> to vector<1x128xf32>
    %broadcast_in_dim3A_80 = vector.broadcast %broadcast_in_dim3A_79 : vector<1x128xf32> to vector<128x128xf32>
    %mul3A_81 = arith.mulf %broadcast_in_dim3A_80, %convert_element_type3A_70 : vector<128x128xf32>
    %reduce_sum3A_82 = arith.constant dense<0.000000e+00> : vector<128xf32>
    %reduce_sum3A_83 = vector.multi_reduction <add>, %mul3A_81, %reduce_sum3A_82 [1] : vector<128x128xf32> to vector<128xf32>
    %broadcast_in_dim3A_84 = vector.shape_cast %reduce_sum3A_83 : vector<128xf32> to vector<128x1xf32>
    %slice3A_85 = vector.extract_strided_slice %squeeze3A_65 {offsets = [2, 0], sizes = [1, 128], strides = [1, 1]} : vector<8x128xf32> to vector<1x128xf32>
    %broadcast_in_dim3A_86 = vector.shape_cast %slice3A_85 : vector<1x128xf32> to vector<1x128xf32>
    %broadcast_in_dim3A_87 = vector.broadcast %broadcast_in_dim3A_86 : vector<1x128xf32> to vector<128x128xf32>
    %mul3A_88 = arith.mulf %broadcast_in_dim3A_87, %convert_element_type3A_70 : vector<128x128xf32>
    %reduce_sum3A_89 = arith.constant dense<0.000000e+00> : vector<128xf32>
    %reduce_sum3A_90 = vector.multi_reduction <add>, %mul3A_88, %reduce_sum3A_89 [1] : vector<128x128xf32> to vector<128xf32>
    %broadcast_in_dim3A_91 = vector.shape_cast %reduce_sum3A_90 : vector<128xf32> to vector<128x1xf32>
    %slice3A_92 = vector.extract_strided_slice %squeeze3A_65 {offsets = [3, 0], sizes = [1, 128], strides = [1, 1]} : vector<8x128xf32> to vector<1x128xf32>
    %broadcast_in_dim3A_93 = vector.shape_cast %slice3A_92 : vector<1x128xf32> to vector<1x128xf32>
    %broadcast_in_dim3A_94 = vector.broadcast %broadcast_in_dim3A_93 : vector<1x128xf32> to vector<128x128xf32>
    %mul3A_95 = arith.mulf %broadcast_in_dim3A_94, %convert_element_type3A_70 : vector<128x128xf32>
    %reduce_sum3A_96 = arith.constant dense<0.000000e+00> : vector<128xf32>
    %reduce_sum3A_97 = vector.multi_reduction <add>, %mul3A_95, %reduce_sum3A_96 [1] : vector<128x128xf32> to vector<128xf32>
    %broadcast_in_dim3A_98 = vector.shape_cast %reduce_sum3A_97 : vector<128xf32> to vector<128x1xf32>
    %slice3A_99 = vector.extract_strided_slice %squeeze3A_65 {offsets = [4, 0], sizes = [1, 128], strides = [1, 1]} : vector<8x128xf32> to vector<1x128xf32>
    %broadcast_in_dim3A_100 = vector.shape_cast %slice3A_99 : vector<1x128xf32> to vector<1x128xf32>
    %broadcast_in_dim3A_101 = vector.broadcast %broadcast_in_dim3A_100 : vector<1x128xf32> to vector<128x128xf32>
    %mul3A_102 = arith.mulf %broadcast_in_dim3A_101, %convert_element_type3A_70 : vector<128x128xf32>
    %reduce_sum3A_103 = arith.constant dense<0.000000e+00> : vector<128xf32>
    %reduce_sum3A_104 = vector.multi_reduction <add>, %mul3A_102, %reduce_sum3A_103 [1] : vector<128x128xf32> to vector<128xf32>
    %broadcast_in_dim3A_105 = vector.shape_cast %reduce_sum3A_104 : vector<128xf32> to vector<128x1xf32>
    %slice3A_106 = vector.extract_strided_slice %squeeze3A_65 {offsets = [5, 0], sizes = [1, 128], strides = [1, 1]} : vector<8x128xf32> to vector<1x128xf32>
    %broadcast_in_dim3A_107 = vector.shape_cast %slice3A_106 : vector<1x128xf32> to vector<1x128xf32>
    %broadcast_in_dim3A_108 = vector.broadcast %broadcast_in_dim3A_107 : vector<1x128xf32> to vector<128x128xf32>
    %mul3A_109 = arith.mulf %broadcast_in_dim3A_108, %convert_element_type3A_70 : vector<128x128xf32>
    %reduce_sum3A_110 = arith.constant dense<0.000000e+00> : vector<128xf32>
    %reduce_sum3A_111 = vector.multi_reduction <add>, %mul3A_109, %reduce_sum3A_110 [1] : vector<128x128xf32> to vector<128xf32>
    %broadcast_in_dim3A_112 = vector.shape_cast %reduce_sum3A_111 : vector<128xf32> to vector<128x1xf32>
    %slice3A_113 = vector.extract_strided_slice %squeeze3A_65 {offsets = [6, 0], sizes = [1, 128], strides = [1, 1]} : vector<8x128xf32> to vector<1x128xf32>
    %broadcast_in_dim3A_114 = vector.shape_cast %slice3A_113 : vector<1x128xf32> to vector<1x128xf32>
    %broadcast_in_dim3A_115 = vector.broadcast %broadcast_in_dim3A_114 : vector<1x128xf32> to vector<128x128xf32>
    %mul3A_116 = arith.mulf %broadcast_in_dim3A_115, %convert_element_type3A_70 : vector<128x128xf32>
    %reduce_sum3A_117 = arith.constant dense<0.000000e+00> : vector<128xf32>
    %reduce_sum3A_118 = vector.multi_reduction <add>, %mul3A_116, %reduce_sum3A_117 [1] : vector<128x128xf32> to vector<128xf32>
    %broadcast_in_dim3A_119 = vector.shape_cast %reduce_sum3A_118 : vector<128xf32> to vector<128x1xf32>
    %slice3A_120 = vector.extract_strided_slice %squeeze3A_65 {offsets = [7, 0], sizes = [1, 128], strides = [1, 1]} : vector<8x128xf32> to vector<1x128xf32>
    %broadcast_in_dim3A_121 = vector.shape_cast %slice3A_120 : vector<1x128xf32> to vector<1x128xf32>
    %broadcast_in_dim3A_122 = vector.broadcast %broadcast_in_dim3A_121 : vector<1x128xf32> to vector<128x128xf32>
    %mul3A_123 = arith.mulf %broadcast_in_dim3A_122, %convert_element_type3A_70 : vector<128x128xf32>
    %reduce_sum3A_124 = arith.constant dense<0.000000e+00> : vector<128xf32>
    %reduce_sum3A_125 = vector.multi_reduction <add>, %mul3A_123, %reduce_sum3A_124 [1] : vector<128x128xf32> to vector<128xf32>
    %broadcast_in_dim3A_126 = vector.shape_cast %reduce_sum3A_125 : vector<128xf32> to vector<128x1xf32>
    %concatenate3A_127 = tpu.concatenate %broadcast_in_dim3A_77, %broadcast_in_dim3A_84, %broadcast_in_dim3A_91, %broadcast_in_dim3A_98, %broadcast_in_dim3A_105, %broadcast_in_dim3A_112, %broadcast_in_dim3A_119, %broadcast_in_dim3A_126 in 0 : vector<128x1xf32>, vector<128x1xf32>, vector<128x1xf32>, vector<128x1xf32>, vector<128x1xf32>, vector<128x1xf32>, vector<128x1xf32>, vector<128x1xf32> -> vector<1024x1xf32>
    %gt3A_128 = arith.constant 0.000000e+00 : f32
    %gt3A_129 = vector.broadcast %gt3A_128 : f32 to vector<1024x1xf32>
    %gt3A_130 = arith.cmpf ogt, %concatenate3A_127, %gt3A_129 : vector<1024x1xf32>
    %rsqrt3A_131 = math.rsqrt %concatenate3A_127 : vector<1024x1xf32>
    %jit3A_132 = arith.constant 0.000000e+00 : f32
    %broadcast_in_dim3A_133 = vector.broadcast %jit3A_132 : f32 to vector<1024x1xf32>
    %select_n3A_134 = arith.select %gt3A_130, %rsqrt3A_131, %broadcast_in_dim3A_133 : vector<1024x1xi1>, vector<1024x1xf32>
    %mul3A_135 = arith.mulf %select_n3A, %select_n3A_134 : vector<1024x1xf32>
    %get3A_136 = arith.constant 0 : index
    %get3A_137 = arith.constant 0 : index
    %get3A_138 = arith.constant 0 : index
    %get3A_139 = vector.load %arg1[%get3A_136, %get3A_137, %get3A_138] : memref<2x1024x128xf32, #tpu.memory_space<vmem>>, vector<1x1024x128xf32>
    %get3A_140 = vector.shape_cast %get3A_139 : vector<1x1024x128xf32> to vector<1024x128xf32>
    %get3A_141 = arith.constant 1 : index
    %get3A_142 = arith.constant 0 : index
    %get3A_143 = arith.constant 0 : index
    %get3A_144 = vector.load %arg1[%get3A_141, %get3A_142, %get3A_143] : memref<2x1024x128xf32, #tpu.memory_space<vmem>>, vector<1x1024x128xf32>
    %get3A_145 = vector.shape_cast %get3A_144 : vector<1x1024x128xf32> to vector<1024x128xf32>
    %add3A = arith.addf %get3A_140, %get3A_145 : vector<1024x128xf32>
    %mul3A_146 = vector.broadcast %mul3A_135 : vector<1024x1xf32> to vector<1024x128xf32>
    %mul3A_147 = arith.mulf %add3A, %mul3A_146 : vector<1024x128xf32>
    %swap3A = arith.constant 0 : index
    %swap3A_148 = arith.constant 0 : index
    %swap3A_149 = vector.load %arg3[%swap3A, %swap3A_148] : memref<1024x128xf32, #tpu.memory_space<vmem>>, vector<1024x128xf32>
    tpu.vector_store %arg3[%swap3A, %swap3A_148], %mul3A_147 {strides = array<i32>} : memref<1024x128xf32, #tpu.memory_space<vmem>>, vector<1024x128xf32>,
    return
  }
  func.func @transform_0(%arg0: i32) -> (i32, i32, i32) {
    %c0_i32 = arith.constant 0 : i32
    %c0_i32_0 = arith.constant 0 : i32
    %c0_i32_1 = arith.constant 0 : i32
    return %c0_i32, %arg0, %c0_i32_0 : i32, i32, i32
  }
  func.func @transform_1(%arg0: i32) -> (i32, i32, i32, i32) {
    %c0_i32 = arith.constant 0 : i32
    %c0_i32_0 = arith.constant 0 : i32
    %c0_i32_1 = arith.constant 0 : i32
    %c0_i32_2 = arith.constant 0 : i32
    return %c0_i32, %c0_i32_0, %arg0, %c0_i32_1 : i32, i32, i32, i32
  }
  func.func @transform_2(%arg0: i32) -> (i32, i32) {
    %c0_i32 = arith.constant 0 : i32
    %c0_i32_0 = arith.constant 0 : i32
    return %arg0, %c0_i32 : i32, i32
  }
}

module attributes {stable_mosaic.version = 14 : i64} {
  func.func @_comb_body(%arg0: i32, %arg1: memref<2x1024x128xf32, #tpu.memory_space<vmem>>, %arg2: memref<2x32x8x128xf32, #tpu.memory_space<vmem>>, %arg3: memref<1024x128xf32, #tpu.memory_space<vmem>>) attributes {dimension_semantics = [#tpu.dimension_semantics<arbitrary>], iteration_bounds = array<i64: 10>, scalar_prefetch = 0 : i64, scratch_operands = 0 : i64, tpu.core_type = #tpu.core_type<tc>, window_params = [{transform_indices = @transform_0, window_bounds = array<i64: 2, 1024, 128>}, {transform_indices = @transform_1, window_bounds = array<i64: 2, 32, 8, 128>}, {transform_indices = @transform_2, window_bounds = array<i64: 1024, 128>}]} {
    %get3A = arith.constant 0 : index
    %get3A_0 = arith.constant 0 : index
    %get3A_1 = arith.constant 0 : index
    %get3A_2 = arith.constant 0 : index
    %get3A_3 = vector.load %arg2[%get3A, %get3A_0, %get3A_1, %get3A_2] : memref<2x32x8x128xf32, #tpu.memory_space<vmem>>, vector<2x32x8x128xf32>
    %reduce_sum3A = arith.constant dense<0.000000e+00> : vector<2x8x128xf32>
    %reduce_sum3A_4 = vector.multi_reduction <add>, %get3A_3, %reduce_sum3A [1] : vector<2x32x8x128xf32> to vector<2x8x128xf32>
    %slice3A = vector.extract_strided_slice %reduce_sum3A_4 {offsets = [1, 0, 0], sizes = [1, 8, 128], strides = [1, 1, 1]} : vector<2x8x128xf32> to vector<1x8x128xf32>
    %squeeze3A = vector.shape_cast %slice3A : vector<1x8x128xf32> to vector<8x128xf32>
    %iota3A = tpu.iota {dimensions = array<i32: 0>} : vector<128x128xi32>
    %iota3A_5 = tpu.iota {dimensions = array<i32: 1>} : vector<128x128xi32>
    %eq3A = arith.cmpi eq, %iota3A, %iota3A_5 : vector<128x128xi32>
    %convert_element_type3A = arith.extui %eq3A : vector<128x128xi1> to vector<128x128xi32>
    %convert_element_type3A_6 = arith.sitofp %convert_element_type3A : vector<128x128xi32> to vector<128x128xf32>
    %slice3A_7 = vector.extract_strided_slice %squeeze3A {offsets = [0, 0], sizes = [1, 128], strides = [1, 1]} : vector<8x128xf32> to vector<1x128xf32>
    %broadcast_in_dim3A = vector.shape_cast %slice3A_7 : vector<1x128xf32> to vector<1x128xf32>
    %broadcast_in_dim3A_8 = vector.broadcast %broadcast_in_dim3A : vector<1x128xf32> to vector<128x128xf32>
    %mul3A = arith.mulf %broadcast_in_dim3A_8, %convert_element_type3A_6 : vector<128x128xf32>
    %reduce_sum3A_9 = arith.constant dense<0.000000e+00> : vector<128xf32>
    %reduce_sum3A_10 = vector.multi_reduction <add>, %mul3A, %reduce_sum3A_9 [1] : vector<128x128xf32> to vector<128xf32>
    %broadcast_in_dim3A_11 = vector.shape_cast %reduce_sum3A_10 : vector<128xf32> to vector<128x1xf32>
    %slice3A_12 = vector.extract_strided_slice %squeeze3A {offsets = [1, 0], sizes = [1, 128], strides = [1, 1]} : vector<8x128xf32> to vector<1x128xf32>
    %broadcast_in_dim3A_13 = vector.shape_cast %slice3A_12 : vector<1x128xf32> to vector<1x128xf32>
    %broadcast_in_dim3A_14 = vector.broadcast %broadcast_in_dim3A_13 : vector<1x128xf32> to vector<128x128xf32>
    %mul3A_15 = arith.mulf %broadcast_in_dim3A_14, %convert_element_type3A_6 : vector<128x128xf32>
    %reduce_sum3A_16 = arith.constant dense<0.000000e+00> : vector<128xf32>
    %reduce_sum3A_17 = vector.multi_reduction <add>, %mul3A_15, %reduce_sum3A_16 [1] : vector<128x128xf32> to vector<128xf32>
    %broadcast_in_dim3A_18 = vector.shape_cast %reduce_sum3A_17 : vector<128xf32> to vector<128x1xf32>
    %slice3A_19 = vector.extract_strided_slice %squeeze3A {offsets = [2, 0], sizes = [1, 128], strides = [1, 1]} : vector<8x128xf32> to vector<1x128xf32>
    %broadcast_in_dim3A_20 = vector.shape_cast %slice3A_19 : vector<1x128xf32> to vector<1x128xf32>
    %broadcast_in_dim3A_21 = vector.broadcast %broadcast_in_dim3A_20 : vector<1x128xf32> to vector<128x128xf32>
    %mul3A_22 = arith.mulf %broadcast_in_dim3A_21, %convert_element_type3A_6 : vector<128x128xf32>
    %reduce_sum3A_23 = arith.constant dense<0.000000e+00> : vector<128xf32>
    %reduce_sum3A_24 = vector.multi_reduction <add>, %mul3A_22, %reduce_sum3A_23 [1] : vector<128x128xf32> to vector<128xf32>
    %broadcast_in_dim3A_25 = vector.shape_cast %reduce_sum3A_24 : vector<128xf32> to vector<128x1xf32>
    %slice3A_26 = vector.extract_strided_slice %squeeze3A {offsets = [3, 0], sizes = [1, 128], strides = [1, 1]} : vector<8x128xf32> to vector<1x128xf32>
    %broadcast_in_dim3A_27 = vector.shape_cast %slice3A_26 : vector<1x128xf32> to vector<1x128xf32>
    %broadcast_in_dim3A_28 = vector.broadcast %broadcast_in_dim3A_27 : vector<1x128xf32> to vector<128x128xf32>
    %mul3A_29 = arith.mulf %broadcast_in_dim3A_28, %convert_element_type3A_6 : vector<128x128xf32>
    %reduce_sum3A_30 = arith.constant dense<0.000000e+00> : vector<128xf32>
    %reduce_sum3A_31 = vector.multi_reduction <add>, %mul3A_29, %reduce_sum3A_30 [1] : vector<128x128xf32> to vector<128xf32>
    %broadcast_in_dim3A_32 = vector.shape_cast %reduce_sum3A_31 : vector<128xf32> to vector<128x1xf32>
    %slice3A_33 = vector.extract_strided_slice %squeeze3A {offsets = [4, 0], sizes = [1, 128], strides = [1, 1]} : vector<8x128xf32> to vector<1x128xf32>
    %broadcast_in_dim3A_34 = vector.shape_cast %slice3A_33 : vector<1x128xf32> to vector<1x128xf32>
    %broadcast_in_dim3A_35 = vector.broadcast %broadcast_in_dim3A_34 : vector<1x128xf32> to vector<128x128xf32>
    %mul3A_36 = arith.mulf %broadcast_in_dim3A_35, %convert_element_type3A_6 : vector<128x128xf32>
    %reduce_sum3A_37 = arith.constant dense<0.000000e+00> : vector<128xf32>
    %reduce_sum3A_38 = vector.multi_reduction <add>, %mul3A_36, %reduce_sum3A_37 [1] : vector<128x128xf32> to vector<128xf32>
    %broadcast_in_dim3A_39 = vector.shape_cast %reduce_sum3A_38 : vector<128xf32> to vector<128x1xf32>
    %slice3A_40 = vector.extract_strided_slice %squeeze3A {offsets = [5, 0], sizes = [1, 128], strides = [1, 1]} : vector<8x128xf32> to vector<1x128xf32>
    %broadcast_in_dim3A_41 = vector.shape_cast %slice3A_40 : vector<1x128xf32> to vector<1x128xf32>
    %broadcast_in_dim3A_42 = vector.broadcast %broadcast_in_dim3A_41 : vector<1x128xf32> to vector<128x128xf32>
    %mul3A_43 = arith.mulf %broadcast_in_dim3A_42, %convert_element_type3A_6 : vector<128x128xf32>
    %reduce_sum3A_44 = arith.constant dense<0.000000e+00> : vector<128xf32>
    %reduce_sum3A_45 = vector.multi_reduction <add>, %mul3A_43, %reduce_sum3A_44 [1] : vector<128x128xf32> to vector<128xf32>
    %broadcast_in_dim3A_46 = vector.shape_cast %reduce_sum3A_45 : vector<128xf32> to vector<128x1xf32>
    %slice3A_47 = vector.extract_strided_slice %squeeze3A {offsets = [6, 0], sizes = [1, 128], strides = [1, 1]} : vector<8x128xf32> to vector<1x128xf32>
    %broadcast_in_dim3A_48 = vector.shape_cast %slice3A_47 : vector<1x128xf32> to vector<1x128xf32>
    %broadcast_in_dim3A_49 = vector.broadcast %broadcast_in_dim3A_48 : vector<1x128xf32> to vector<128x128xf32>
    %mul3A_50 = arith.mulf %broadcast_in_dim3A_49, %convert_element_type3A_6 : vector<128x128xf32>
    %reduce_sum3A_51 = arith.constant dense<0.000000e+00> : vector<128xf32>
    %reduce_sum3A_52 = vector.multi_reduction <add>, %mul3A_50, %reduce_sum3A_51 [1] : vector<128x128xf32> to vector<128xf32>
    %broadcast_in_dim3A_53 = vector.shape_cast %reduce_sum3A_52 : vector<128xf32> to vector<128x1xf32>
    %slice3A_54 = vector.extract_strided_slice %squeeze3A {offsets = [7, 0], sizes = [1, 128], strides = [1, 1]} : vector<8x128xf32> to vector<1x128xf32>
    %broadcast_in_dim3A_55 = vector.shape_cast %slice3A_54 : vector<1x128xf32> to vector<1x128xf32>
    %broadcast_in_dim3A_56 = vector.broadcast %broadcast_in_dim3A_55 : vector<1x128xf32> to vector<128x128xf32>
    %mul3A_57 = arith.mulf %broadcast_in_dim3A_56, %convert_element_type3A_6 : vector<128x128xf32>
    %reduce_sum3A_58 = arith.constant dense<0.000000e+00> : vector<128xf32>
    %reduce_sum3A_59 = vector.multi_reduction <add>, %mul3A_57, %reduce_sum3A_58 [1] : vector<128x128xf32> to vector<128xf32>
    %broadcast_in_dim3A_60 = vector.shape_cast %reduce_sum3A_59 : vector<128xf32> to vector<128x1xf32>
    %concatenate3A = tpu.concatenate %broadcast_in_dim3A_11, %broadcast_in_dim3A_18, %broadcast_in_dim3A_25, %broadcast_in_dim3A_32, %broadcast_in_dim3A_39, %broadcast_in_dim3A_46, %broadcast_in_dim3A_53, %broadcast_in_dim3A_60 in 0 : vector<128x1xf32>, vector<128x1xf32>, vector<128x1xf32>, vector<128x1xf32>, vector<128x1xf32>, vector<128x1xf32>, vector<128x1xf32>, vector<128x1xf32> -> vector<1024x1xf32>
    %gt3A = arith.constant 0.000000e+00 : f32
    %gt3A_61 = vector.broadcast %gt3A : f32 to vector<1024x1xf32>
    %gt3A_62 = arith.cmpf ogt, %concatenate3A, %gt3A_61 : vector<1024x1xf32>
    %rsqrt3A = math.rsqrt %concatenate3A : vector<1024x1xf32>
    %jit3A = arith.constant 0.000000e+00 : f32
    %broadcast_in_dim3A_63 = vector.broadcast %jit3A : f32 to vector<1024x1xf32>
    %select_n3A = arith.select %gt3A_62, %rsqrt3A, %broadcast_in_dim3A_63 : vector<1024x1xi1>, vector<1024x1xf32>
    %get3A_64 = arith.constant 0 : index
    %get3A_65 = arith.constant 0 : index
    %get3A_66 = arith.constant 0 : index
    %get3A_67 = vector.load %arg1[%get3A_64, %get3A_65, %get3A_66] : memref<2x1024x128xf32, #tpu.memory_space<vmem>>, vector<1x1024x128xf32>
    %get3A_68 = vector.shape_cast %get3A_67 : vector<1x1024x128xf32> to vector<1024x128xf32>
    %get3A_69 = arith.constant 1 : index
    %get3A_70 = arith.constant 0 : index
    %get3A_71 = arith.constant 0 : index
    %get3A_72 = vector.load %arg1[%get3A_69, %get3A_70, %get3A_71] : memref<2x1024x128xf32, #tpu.memory_space<vmem>>, vector<1x1024x128xf32>
    %get3A_73 = vector.shape_cast %get3A_72 : vector<1x1024x128xf32> to vector<1024x128xf32>
    %add3A = arith.addf %get3A_68, %get3A_73 : vector<1024x128xf32>
    %mul3A_74 = vector.broadcast %select_n3A : vector<1024x1xf32> to vector<1024x128xf32>
    %mul3A_75 = arith.mulf %add3A, %mul3A_74 : vector<1024x128xf32>
    %swap3A = arith.constant 0 : index
    %swap3A_76 = arith.constant 0 : index
    %swap3A_77 = vector.load %arg3[%swap3A, %swap3A_76] : memref<1024x128xf32, #tpu.memory_space<vmem>>, vector<1024x128xf32>
    tpu.vector_store %arg3[%swap3A, %swap3A_76], %mul3A_75 {strides = array<i32>} : memref<1024x128xf32, #tpu.memory_space<vmem>>, vector<1024x128xf32>,
    return
  }
  func.func @transform_0(%arg0: i32) -> (i32, i32, i32) {
    %c0_i32 = arith.constant 0 : i32
    %c0_i32_0 = arith.constant 0 : i32
    %c0_i32_1 = arith.constant 0 : i32
    return %c0_i32, %arg0, %c0_i32_0 : i32, i32, i32
  }
  func.func @transform_1(%arg0: i32) -> (i32, i32, i32, i32) {
    %c0_i32 = arith.constant 0 : i32
    %c0_i32_0 = arith.constant 0 : i32
    %c0_i32_1 = arith.constant 0 : i32
    %c0_i32_2 = arith.constant 0 : i32
    return %c0_i32, %c0_i32_0, %arg0, %c0_i32_1 : i32, i32, i32, i32
  }
  func.func @transform_2(%arg0: i32) -> (i32, i32) {
    %c0_i32 = arith.constant 0 : i32
    %c0_i32_0 = arith.constant 0 : i32
    return %arg0, %c0_i32 : i32, i32
  }
}

</mosaic_0001>

<sc_bundles>
// kernel: kernel.11.cloned.1.call-start
scs
__scs_entry_jumppad:
0x0: {  	(pc) =	sbr.rel $0x88, $3  }
0x1: {  	(tag) =	ssettag $0x0;
	lr =	simm.s32 $0x1  }
0x2: {  	[smem:$0x3F9D] =	sst lr;
	_ =	strace $0xD0000000  }
0x3: {  	_ = 	snop  }
0x4: {  	_ = 	snop  }
0x5: {  	_ = 	snop  }
0x6: {  	_ = 	snop  }
0x7: {  	_ = 	snop  }
__scs_overlays_trampoline_lowered:
0x8: {  	[smem:$0x3FAC] =	sst s0  }
0x9: {  	[smem:$0x3FAD] =	sst s1  }
0xa: {  	[smem:$0x3FAE] =	sst s2  }
0xb: {  	[smem:$0x3FAF] =	sst s3  }
0xc: {  	[smem:$0x3FB0] =	sst s4  }
0xd: {  	[smem:$0x3FB1] =	sst s5  }
0xe: {  	[smem:$0x3FB2] =	sst s6  }
0xf: {  	[smem:$0x3FB3] =	sst s7  }
0x10: {  	[smem:$0x3FB4] =	sst s8  }
0x11: {  	[smem:$0x3FB5] =	sst s9;
	s0 =	simm.s32 @!p0 $0x0  }
0x12: {  	s1 =	sld [smem:$0x3F9B];
	s0 =	simm.s32 @p0 $0x1  }
0x13: {  	[smem:$0x3FB6] =	sst s0;
	s0 =	simm.s32 @!p1 $0x0  }
0x14: {  	s2 =	sld [smem:$0x3F9A];
	s0 =	simm.s32 @p1 $0x1  }
0x15: {  	[smem:$0x3FB7] =	sst s0;
	s0 =	simm.s32 @!p2 $0x0  }
0x16: {  	s3 =	sld [smem:$0x3FDB];
	s0 =	simm.s32 @p2 $0x1  }
0x17: {  	s4 =	simm.s32 $0x1BF5;
	[smem:$0x3FB9] =	sst s0  }
0x18: {  	s0 =	sld [smem:$0x3F9C];
	_ =	swait.ge [sflag:s4], $0x0  }
0x19: {  	s7 =	sld [smem:$0x3F9D]  }
0x1a: {  	s8 =	sadd.s32 $0xFFFFE003, lr  }
0x1b: {  	s9 =	sadd.s32 $0xFFFFFEF7, lr;
	s5 =	simm.s32 $0xFFFFFFFF;
	p2 =	slt.u32 s8, $0xFFFFF086  }
0x1c: {  	p1 =	slt.u32 s9, $0xF7A;
	s5 =	simm.s32 @!p2 $0x0  }
0x1d: {  	s5 =	simm.s32 @p1 $0x1;
	p0 =	seq.s32 s7, s2  }
0x1e: {  	s7 =	smul.u32 @!p0 $0xF7A, s2;
	p2 =	seq.s32 @!p0 s5, $0x0  }
0x1f: {  	s9 =	smul.u32 $0xF7A, s1;
	s8 =	simm.s32 @!p0 $0x1BF5;
	p2 =	por !p2, p0  }
0x20: {  	[sflag:s8] =	ssyncset.s32 @!p0 $0xFFFFF086;
	s6 =	sadd.s32 @!p0 s3, s7;
	s7 =	simm.s32 @!p0 $0x108  }
0x21: {  	s3 =	sadd.s32 s3, s9;
	s6 =	sadd.s32 @!p0 $0x88, s6;
	s7 =	simm.s32 @p2 $0x1082  }
0x22: {  	[simem:s7], [sflag:s8] =	dma.local @!p0 [hbm:s6], $0xF7A  }
0x23: {  	s9 =	sor.u32 $0xD0000000, s2;
	s6 =	simm.s32 $0x108;
	_ =	swait.ge @!p0 [sflag:s8], $0x0  }
0x24: {  	s3 =	sadd.s32 $0x88, s3;
	s6 =	simm.s32 @!p1 $0x1082;
	[sflag:s4] =	ssyncset.s32 $0xFFFFF086  }
0x25: {  	[simem:s6], [sflag:s4] =	dma.local [hbm:s3], $0xF7A  }
0x26: {  	[smem:$0x3F9D] =	sst s1;
	(tag) =	ssettag s2;
	_ =	strace s9  }
0x27: {  	s1 =	sld [smem:$0x3FAD]  }
0x28: {  	s2 =	sld [smem:$0x3FAE]  }
0x29: {  	s4 =	sld [smem:$0x3FB0]  }
0x2a: {  	p0 =	seq.s32 s5, $0x0;
	s5 =	sld [smem:$0x3FB1]  }
0x2b: {  	s6 =	sld [smem:$0x3FB2]  }
0x2c: {  	s7 =	sld [smem:$0x3FB3]  }
0x2d: {  	s3 =	simm.s32 $0x108;
	s8 =	sld [smem:$0x3FB4]  }
0x2e: {  	s3 =	simm.s32 @!p0 $0x1082;
	s9 =	sld [smem:$0x3FB5]  }
0x2f: {  	lr =	sadd.s32 s0, s3;
	s0 =	sld [smem:$0x3FAC]  }
0x30: {  	s3 =	sld [smem:$0x3FAF]  }
0x31: {  	[smem:$0x3FB8] =	sst s10  }
0x32: {  	s10 =	sld [smem:$0x3FB6];
	_ =	sdelay $0x3  }
0x33: {  	p0 =	seq.s32 s10, $0x1;
	s10 =	sld [smem:$0x3FB8];
	_ =	sdelay $0x3  }
0x34: {  	[smem:$0x3FB8] =	sst s10  }
0x35: {  	s10 =	sld [smem:$0x3FB7];
	_ =	sdelay $0x3  }
0x36: {  	p1 =	seq.s32 s10, $0x1;
	s10 =	sld [smem:$0x3FB8];
	_ =	sdelay $0x3  }
0x37: {  	[smem:$0x3FB8] =	sst s10  }
0x38: {  	s10 =	sld [smem:$0x3FB9]  }
0x39: {  	_ = 	snop;
	(pc) =	sbr.ind lr, $3  }
0x3a: {  	_ = 	snop  }
0x3b: {  	_ = 	snop  }
0x3c: {  	p2 =	seq.s32 s10, $0x1;
	s10 =	sld [smem:$0x3FB8]  }
0x3d: {  	_ =	shalt  }
0x3e: {  	_ =	shalt  }
0x3f: {  	_ =	shalt  }
0x40: {  	_ =	shalt  }
0x41: {  	_ =	shalt  }
0x42: {  	_ =	shalt  }
0x43: {  	_ =	shalt  }
0x44: {  	_ =	shalt  }
0x45: {  	_ =	shalt  }
0x46: {  	_ =	shalt  }
0x47: {  	_ =	shalt  }
0x48: {  	_ =	shalt  }
0x49: {  	_ =	shalt  }
0x4a: {  	_ =	shalt  }
0x4b: {  	_ =	shalt  }
0x4c: {  	_ =	shalt  }
0x4d: {  	_ =	shalt  }
0x4e: {  	_ =	shalt  }
0x4f: {  	_ =	shalt  }
0x50: {  	_ =	shalt  }
0x51: {  	_ =	shalt  }
0x52: {  	_ =	shalt  }
0x53: {  	_ =	shalt  }
0x54: {  	_ =	shalt  }
0x55: {  	_ =	shalt  }
0x56: {  	_ =	shalt  }
0x57: {  	_ =	shalt  }
0x58: {  	_ =	shalt  }
0x59: {  	_ =	shalt  }
0x5a: {  	_ =	shalt  }
0x5b: {  	_ =	shalt  }
0x5c: {  	_ =	shalt  }
0x5d: {  	_ =	shalt  }
0x5e: {  	_ =	shalt  }
0x5f: {  	_ =	shalt  }
0x60: {  	_ =	shalt  }
0x61: {  	_ =	shalt  }
0x62: {  	_ =	shalt  }
0x63: {  	_ =	shalt  }
0x64: {  	_ =	shalt  }
0x65: {  	_ =	shalt  }
0x66: {  	_ =	shalt  }
0x67: {  	_ =	shalt  }
0x68: {  	_ =	shalt  }
0x69: {  	_ =	shalt  }
0x6a: {  	_ =	shalt  }
0x6b: {  	_ =	shalt  }
0x6c: {  	_ =	shalt  }
0x6d: {  	_ =	shalt  }
0x6e: {  	_ =	shalt  }
0x6f: {  	_ =	shalt  }
0x70: {  	_ =	shalt  }
0x71: {  	_ =	shalt  }
0x72: {  	_ =	shalt  }
0x73: {  	_ =	shalt  }
0x74: {  	_ =	shalt  }
0x75: {  	_ =	shalt  }
0x76: {  	_ =	shalt  }
0x77: {  	_ =	shalt  }
0x78: {  	_ =	shalt  }
0x79: {  	_ =	shalt  }
0x7a: {  	_ =	shalt  }
0x7b: {  	_ =	shalt  }
0x7c: {  	_ =	shalt  }
0x7d: {  	_ =	shalt  }
0x7e: {  	_ =	shalt  }
0x7f: {  	_ =	shalt  }
0x80: {  	_ =	shalt  }
0x81: {  	_ =	shalt  }
0x82: {  	_ =	shalt  }
0x83: {  	_ =	shalt  }
0x84: {  	_ =	shalt  }
0x85: {  	_ =	shalt  }
0x86: {  	_ =	shalt  }
0x87: {  	_ =	shalt  }
.Lfunc_end0:
.L_simem_size_0:
called_computation.1_lowered:
.L_overlay_start_0:
0x88: {  	s2 =	sld [smem:$0x3FD9]  }
0x89: {  	s3 =	sld [smem:$0x3FFE];
	_ =	sdelay $0x1  }
0x8a: {  	s1 =	srdreg.scid  }
0x8b: {  	s0 =	sand.u32 $0x1, s1  }
0x8c: {  	s17 =	sshll.u32 s0, $0xA;
	s2 =	sadd.s32 s3, s2  }
0x8d: {  	s2 =	sadd.s32 s2, s17  }
0x8e: {  	[smem:$0x3FC4] =	sst s2  }
0x8f: {  	_ = 	snop  }
0x90: {  	s2 =	sld [smem:$0x3FD0];
	(tm) =	ssettm $0x1  }
0x91: {  	s18 =	sld [smem:$0x3FFB];
	_ =	sdelay $0x3  }
0x92: {  	_ =	strace s18  }
0x93: {  	s3 =	sld [smem:$0x3FFC];
	_ =	sdelay $0x3  }
0x94: {  	_ =	strace s3  }
0x95: {  	s3 =	sld [smem:$0x3FFD];
	_ =	sdelay $0x3  }
0x96: {  	_ =	strace s3  }
0x97: {  	_ =	strace $0x8FFFFFFF  }
0x98: {  	s19 =	sld [smem:$0x3FDB];
	_ =	sdelay $0x1  }
0x99: {  	s4 =	simm.s32 $_scs_section_size  }
0x9a: {  	s5 =	simm.s32 $_size__tile_overlayer_lowered;
	s6 =	simm.s32 $_tile_overlayer_lowered  }
0x9b: {  	s22 =	simm.s32 $0x1BFF;
	s21 =	sshll.u32 s6, $0x1;
	s3 =	sadd.s32 s4, s19  }
0x9c: {  	s7 =	simm.s32 $0x0;
	s20 =	sshll.u32 s5, $0x1;
	s5 =	sadd.s32 s21, s3  }
0x9d: {  	[timem:s7], [sflag:s22] =	dma.local [hbm:s5], s20  }
0x9e: {  	_ =	swait.ge [sflag:s22], s20  }
0x9f: {  	s4 =	ssub.s32 $0x0, s20;
	[sflag:s22] =	ssyncset.done $0x0  }
0xa0: {  	[sflag:s22] =	ssyncadd.s32 s4;
	_ =	sdelay $0x1  }
0xa1: {  	s23 =	simm.s32 $0x1B8B  }
0xa2: {  	_ =	swait.ge [sflag:s23], $0x1  }
0xa3: {  	[sflag:s23] =	ssyncset.done $0x0  }
0xa4: {  	s25 =	simm.s32 $0x1B8E;
	s24 =	sld [smem:$0x3FFE];
	[sflag:s23] =	ssyncadd.s32 $0xFFFFFFFF  }
0xa5: {  	s26 =	simm.s32 $execute0_lowered;
	[smem:$0x3FD2] =	sst s25  }
0xa6: {  	s5 =	sshll.u32 s26, $0x1;
	_ =	strace $0x80000049;
	[dreg:$0x1] =	wrdreg $0xFFFFFFFF  }
0xa7: {  	s28 =	simm.s32 $_size_execute0_lowered;
	s3 =	sadd.s32 s3, s5;
	[dreg:$0x0] =	wrdreg $0x0  }
0xa8: {  	s5 =	sshll.u32 s28, $0x1;
	[dreg:$0x2] =	wrdreg s3  }
0xa9: {  	[dreg:$0x3] =	wrdreg s5  }
0xaa: {  	[dreg:$0x4] =	wrdreg $0xC0  }
0xab: {  	_ =	task [dreg:s7], $0x5FFFF  }
0xac: {  	[dreg:$0x1] =	wrdreg $0xFFFFFFFF  }
0xad: {  	[dreg:$0x0] =	wrdreg $0x60  }
0xae: {  	[dreg:$0x2] =	wrdreg s2  }
0xaf: {  	[dreg:$0x3] =	wrdreg s24  }
0xb0: {  	[dreg:$0x4] =	wrdreg $0xB7800  }
0xb1: {  	[dreg:$0x5] =	wrdreg $0x9  }
0xb2: {  	_ =	task.clear_ibuf [dreg:s7], $0x6FFFF;
	_ =	strace $0x90000049  }
0xb3: {  	s29 =	simm.s32 $0x9;
	_ =	strace $0x8000004B  }
0xb4: {  	_ =	swait.ge [sflag:s29], $0x1  }
0xb5: {  	[sflag:s29] =	ssyncadd.s32 $0xFFFFFFFF  }
0xb6: {  	_ =	strace $0x9000004B  }
0xb7: {  	_ =	sfence  }
0xb8: {  	s30 =	sld [smem:$0x0];
	_ =	sdelay $0x2  }
0xb9: {  	s31 =	sshll.u32 s1, $0xD;
	s1 =	sshrl.u32 s1, $0x2  }
0xba: {  	s3 =	sand.u32 $0x4000, s31;
	s1 =	sadd.s32 s1, s30  }
0xbb: {  	s0 =	sor.u32 s3, s0;
	s1 =	sshll.u32 s1, $0x11  }
0xbc: {  	s0 =	sor.u32 s1, s0  }
0xbd: {  	s0 =	sadd.s32 $0x8F2B, s0  }
0xbe: {  	[sflag:s0] =	ssyncadd.remote.s32 $0x1  }
0xbf: {  	_ =	sfence.sel $0xFFFF  }
0xc0: {  	[dreg:$0x0] =	wrdreg $0xFFFFFFFF;
	(pc) =	sbr.abs _section_cstart, $3  }
0xc1: {  	[dreg:$0x1] =	wrdreg $0xFFFFFFFF  }
0xc2: {  	_ =	task.clear_ibuf [dreg:s7], $0x2FFFF;
	_ =	strace $0x9FFFFFFF  }
0xc3: {  	(tm) =	ssettm $0x7FFFFFFF  }
tec
execute0_lowered:
.L_overlay_start_1:
0x0: {  	(tag) =	ssettag $0x1  }
0x1: {  	s2 =	srdreg.scid;
	s1 =	rddreg [dreg:$0x0]  }
0x2: {  	s0 =	stileid.u32;
	s6 =	rddreg [dreg:$0x1]  }
0x3: {  	s3 =	rddreg [dreg:$0x2];
	s15 =	simm.s32 $0x50;
	s16 =	simm.s32 $0x6780  }
0x4: {  	s17 =	simm.s32 $0x8F80;
	s18 =	simm.s32 $0x1;
	s19 =	simm.s32 $0x2  }
0x5: {  	s20 =	simm.s32 $0x3;
	s21 =	simm.s32 $0x26C0;
	s22 =	simm.s32 $0x6580  }
0x6: {  	s23 =	simm.s32 $0x0;
	s5 =	sand.u32 $0x1, s2;
	s10 =	smul.u32 $0x14000, s0  }
0x7: {  	s26 =	sshll.u32 s0, $0x1;
	s28 =	sshrl.u32 s0, $0x2;
	s12 =	smul.u32 $0x50000, s0  }
0x8: {  	s2 =	rddreg [dreg:$0x3];
	s13 =	sshll.u32 s0, $0x6;
	s8 =	smul.u32 $0x13C00, s28  }
0x9: {  	s7 =	sor.u32 s5, s26;
	s29 =	smul.u32 $0x140000, s5;
	s30 =	ssub.s32 $0x2, s5  }
0xa: {  	s5 =	sadd.s32 $0xB800, s6;
	s13 =	sor.u32 $0x1C04, s13;
	s4 =	sshll.u32 s7, $0x7  }
0xb: {  	s7 =	sshll.u32 s7, $0xB;
	s11 =	sshrl.u32 s30, $0x1;
	s31 =	sshrl.u32 s12, $0x2  }
0xc: {  	s12 =	simm.s32 $0x4;
	s9 =	sand.u32 $0x380, s4;
	s4 =	simm.s32 $0x0  }
0xd: {  	s7 =	sadd.s32 s7, s6;
	s14 =	sadd.s32 s31, s3;
	s8 =	sor.u32 s8, s9  }
0xe: {  	[smem:$0x7FF] =	sst s4;
	s9 =	sadd.s32 s10, s29;
	s10 =	ssub.s32 s30, s11  }
0xf: {  	s7 =	sadd.s32 $0x15600, s7;
	s11 =	simm.s32 $0x400;
	s8 =	sshrl.u32 s8, $0x3  }
0x10: {  	s14 =	sshrl.u32 s14, $0x3;
	s9 =	sshrl.u32 s9, $0x3;
	s8 =	sadd.s32 s8, s6  }
0x11: {  	_ =	strace $0x8000004A;
	s9 =	sadd.s32 s9, s6;
	s6 =	sadd.s32 $0x1A00, s8  }
0x12: {  	s8 =	sadd.s32 $0x25600, s9;
	s9 =	smax.u32 s10, $0x1;
	s10 =	simm.s32 $0x80  }
.LBB2_1:
0x13: {  	[tilespmem:s4], [sflag:$0x4] =	stream.strided.gather [hbm4b:s6+s10], $0x2780, s11, s10, $0x38;
	[tilespmem:$0x1F780] =	vst v63  }
0x14: {  	_ =	swait.ge [sflag:s12], $0x2780  }
0x15: {  	[sflag:s12] =	ssyncset.done $0x0  }
0x16: {  	s24 =	simm.s32 $0x2780;
	[sflag:s12] =	ssyncadd.s32 $0xFFFFD880  }
0x17: {  	[tilespmem:s24], [sflag:$0x4] =	stream.linear.gather [hbm4b:s7+s4], $0x3E80, $0x38;
	[tilespmem:$0x1F780] =	vst v63  }
0x18: {  	_ =	swait.ge [sflag:s12], $0x3E80  }
0x19: {  	[sflag:s12] =	ssyncset.done $0x0  }
0x1a: {  	[sflag:s12] =	ssyncadd.s32 $0xFFFFC180  }
0x1b: {  	[spmem:s14], [sflag:s13] =	dma.local [hbm:s5], $0x2800  }
0x1c: {  	_ =	swait.ge [sflag:s12], $0x2800  }
0x1d: {  	[sflag:s12] =	ssyncset.done $0x0  }
0x1e: {  	[sflag:s12] =	ssyncadd.s32 $0xFFFFD800  }
0x1f: {  	s25 =	simm.s32 $0x0;
	[bflag:$0x0] =	sbarrier.arrive $0xFFFF  }
0x20: {  	[tilespmem:s16], [sflag:$0x1] =	stream.indirect.gather [hbm4b:s1+s15], $0x80, s25, s15, $0xb8;
	[tilespmem:$0x1F780] =	vst v63  }
0x21: {  	s30 =	simm.s32 $0x50  }
0x22: {  	[tilespmem:s17], [sflag:$0x2] =	stream.indirect.gather [hbm4b:s1+s15], $0x80, s30, s15, $0xb8;
	[tilespmem:$0x1F780] =	vst v63  }
0x23: {  	_ =	swait.ge [sflag:s18], $0x2800  }
0x24: {  	[sflag:s18] =	ssyncset.done $0x0  }
0x25: {  	[sflag:s18] =	ssyncadd.s32 $0xFFFFD800  }
0x26: {  	[spmem:s3] =	stream.indirect.scatter.add.f32 [tilespmem:s16], [sflag:$0x3], $0x80, s24, s15, $0xb8;
	[tilespmem:$0x1F780] =	vst v63  }
0x27: {  	_ =	swait.ge [sflag:s19], $0x2800  }
0x28: {  	[sflag:s19] =	ssyncset.done $0x0  }
0x29: {  	s31 =	simm.s32 $0x2800;
	[sflag:s19] =	ssyncadd.s32 $0xFFFFD800  }
0x2a: {  	[spmem:s3] =	stream.indirect.scatter.add.f32 [tilespmem:s17], [sflag:$0x4], $0x80, s31, s15, $0xb8;
	[tilespmem:$0x1F780] =	vst v63  }
0x2b: {  	_ =	swait.ge [sflag:s12], $0x2800  }
0x2c: {  	[sflag:s12] =	ssyncset.done $0x0  }
0x2d: {  	[sflag:s12] =	ssyncadd.s32 $0xFFFFD800  }
0x2e: {  	s26 =	simm.s32 $0x500;
	_ =	swait.ge [sflag:s20], $0x2800  }
0x2f: {  	s25 =	simm.s32 $0x280;
	s24 =	simm.s32 $0x2880;
	[sflag:s20] =	ssyncset.done $0x0  }
.LBB2_2:
0x30: {  	s28 =	sshra.s32 s25, $0x2  }
0x31: {  	[sflag:s20] =	ssyncadd.s32 $0xFFFFD800;
	s25 =	smov.u32 s26;
	s29 =	sadd.s32 $0x280, s26  }
0x32: {  	[tilespmem:s16], [sflag:$0x1] =	stream.indirect.gather [hbm4b:s1+s15], $0x80, s28, s15, $0xb8;
	[tilespmem:$0x1F780] =	vst v63  }
0x33: {  	p0 =	sne.s32 s26, $0x9880;
	s26 =	sadd.s32 $0x50, s28  }
0x34: {  	[tilespmem:s17], [sflag:$0x2] =	stream.indirect.gather [hbm4b:s1+s15], $0x80, s26, s15, $0xb8;
	[tilespmem:$0x1F780] =	vst v63  }
0x35: {  	_ =	swait.ge [sflag:s18], $0x2800  }
0x36: {  	[sflag:s18] =	ssyncset.done $0x0  }
0x37: {  	[sflag:s18] =	ssyncadd.s32 $0xFFFFD800  }
0x38: {  	[spmem:s3] =	stream.indirect.scatter.add.f32 [tilespmem:s16], [sflag:$0x3], $0x80, s24, s15, $0xb8;
	[tilespmem:$0x1F780] =	vst v63  }
0x39: {  	_ =	swait.ge [sflag:s19], $0x2800  }
0x3a: {  	[sflag:s19] =	ssyncset.done $0x0  }
0x3b: {  	s26 =	sadd.s32 $0x80, s24;
	[sflag:s19] =	ssyncadd.s32 $0xFFFFD800  }
0x3c: {  	[spmem:s3] =	stream.indirect.scatter.add.f32 [tilespmem:s17], [sflag:$0x4], $0x80, s26, s15, $0xb8;
	[tilespmem:$0x1F780] =	vst v63  }
.Ltmp0:
0x3d: {  	_ =	swait.ge [sflag:s12], $0x2800;
	(pc) =	sbr.rel @p0 .LBB2_2-.Ltmp0, $4  }
0x3e: {  	[sflag:s12] =	ssyncset.done $0x0  }
0x3f: {  	[sflag:s12] =	ssyncadd.s32 $0xFFFFD800  }
0x40: {  	_ =	swait.ge [sflag:s20], $0x2800  }
0x41: {  	s24 =	sadd.s32 $0x100, s24;
	s26 =	smov.u32 s29;
	[sflag:s20] =	ssyncset.done $0x0  }
0x42: {  	s25 =	sshra.s32 s25, $0x2;
	[sflag:s20] =	ssyncadd.s32 $0xFFFFD800  }
0x43: {  	[tilespmem:s16], [sflag:$0x1] =	stream.indirect.gather [hbm4b:s1+s15], $0x80, s25, s15, $0xb8;
	[tilespmem:$0x1F780] =	vst v63  }
0x44: {  	s25 =	sadd.s32 $0x50, s25  }
0x45: {  	[tilespmem:s17], [sflag:$0x2] =	stream.indirect.gather [hbm4b:s1+s15], $0x80, s25, s15, $0xb8;
	[tilespmem:$0x1F780] =	vst v63  }
0x46: {  	_ =	swait.ge [sflag:s18], $0x2800  }
0x47: {  	[sflag:s18] =	ssyncset.done $0x0  }
0x48: {  	[sflag:s18] =	ssyncadd.s32 $0xFFFFD800  }
0x49: {  	[spmem:s3] =	stream.indirect.scatter.add.f32 [tilespmem:s16], [sflag:$0x3], $0x80, s24, s15, $0xb8;
	[tilespmem:$0x1F780] =	vst v63  }
0x4a: {  	_ =	swait.ge [sflag:s19], $0x2800  }
0x4b: {  	[sflag:s19] =	ssyncset.done $0x0  }
0x4c: {  	s31 =	sadd.s32 $0x80, s24;
	[sflag:s19] =	ssyncadd.s32 $0xFFFFD800  }
0x4d: {  	[spmem:s3] =	stream.indirect.scatter.add.f32 [tilespmem:s17], [sflag:$0x4], $0x80, s31, s15, $0xb8;
	[tilespmem:$0x1F780] =	vst v63  }
0x4e: {  	_ =	swait.ge [sflag:s12], $0x2800  }
0x4f: {  	[sflag:s12] =	ssyncset.done $0x0  }
0x50: {  	[sflag:s12] =	ssyncadd.s32 $0xFFFFD800  }
0x51: {  	_ =	swait.ge [sflag:s20], $0x2800  }
0x52: {  	[sflag:s20] =	ssyncset.done $0x0  }
0x53: {  	[sflag:s20] =	ssyncadd.s32 $0xFFFFD800  }
0x54: {  	[tilespmem:s16], [sflag:$0x1] =	stream.indirect.gather [hbm4b:s1+s15], $0x80, s21, s15, $0xb8;
	[tilespmem:$0x1F780] =	vst v63  }
0x55: {  	_ =	swait.ge [sflag:s18], $0x2800  }
0x56: {  	[sflag:s18] =	ssyncset.done $0x0  }
0x57: {  	[sflag:s18] =	ssyncadd.s32 $0xFFFFD800  }
0x58: {  	[spmem:s3] =	stream.indirect.scatter.add.f32 [tilespmem:s16], [sflag:$0x4], $0x80, s22, s15, $0xb8;
	[tilespmem:$0x1F780] =	vst v63  }
0x59: {  	_ =	swait.ge [sflag:s12], $0x2800  }
0x5a: {  	s23 =	sadd.s32 $0x1, s23;
	[sflag:s12] =	ssyncset.done $0x0  }
0x5b: {  	p0 =	sne.s32 s23, s9;
	[sflag:s12] =	ssyncadd.s32 $0xFFFFD800  }
.Ltmp1:
0x5c: {  	[bflag:$0x0] =	sbarrier.arrive $0xFFFF;
	(pc) =	sbr.rel @p0 .LBB2_1-.Ltmp1, $4  }
0x5d: {  	[hbm:s8], [sflag:s13] =	dma.local [spmem:s14], $0x2800  }
0x5e: {  	_ =	swait.ge [sflag:s12], $0x2800  }
0x5f: {  	[sflag:s12] =	ssyncset.done $0x0  }
0x60: {  	[sflag:s12] =	ssyncadd.s32 $0xFFFFD800  }
0x61: {  	_ =	sfence.sel $0x180000  }
0x62: {  	[bflag:$0x0] =	sbarrier.arrive $0xFFFF  }
0x63: {  	p0 =	sne.s32 s0, $0x0;
	_ =	strace $0x9000004A  }
0x64: {  	s0 =	sadd.s32 @!p0 $0x100000, s2;
	[bflag:$0x2] =	sbarrier.arrive $0xFFFF  }
0x65: {  	[sflag:s0] =	ssyncadd.tile.s32 @!p0 $0x1;
	_ =	shalt  }
.Lfunc_end2:
_tile_overlayer_lowered:
.L_overlay_start_2:
0x66: {  	(tag) =	ssettag $0x2  }
0x67: {  	s0 =	rddreg [dreg:$0x0];
	s2 =	stileid.u32  }
0x68: {  	s1 =	rddreg [dreg:$0x1];
	p0 =	sne.s32 s2, $0x0  }
0x69: {  	s3 =	rddreg [dreg:$0x2];
	[bflag:$0x3] =	sbarrier.arrive $0xFFFF;
	s2 =	simm.s32 @!p0 $0x1C04  }
0x6a: {  	[timem:s3], [sflag:s2] =	dma.local @!p0 [hbm:s0], s1  }
0x6b: {  	s0 =	simm.s32 @!p0 $0x4  }
0x6c: {  	_ =	swait.ge @!p0 [sflag:s0], s1  }
0x6d: {  	s1 =	ssub.s32 @!p0 $0x0, s1;
	[sflag:s0] =	ssyncset.done @!p0 $0x0  }
0x6e: {  	[sflag:s0] =	ssyncadd.s32 @!p0 s1  }
0x6f: {  	[bflag:$0x3] =	sbarrier.arrive $0xFFFF  }
0x70: {  	_ =	shalt  }

// kernel: kernel.14.cloned.1.call-start
scs
__scs_entry_jumppad:
0x0: {  	(pc) =	sbr.rel $0x88, $3  }
0x1: {  	(tag) =	ssettag $0x0;
	lr =	simm.s32 $0x1  }
0x2: {  	[smem:$0x3F9D] =	sst lr;
	_ =	strace $0xD0000000  }
0x3: {  	_ = 	snop  }
0x4: {  	_ = 	snop  }
0x5: {  	_ = 	snop  }
0x6: {  	_ = 	snop  }
0x7: {  	_ = 	snop  }
__scs_overlays_trampoline_lowered:
0x8: {  	[smem:$0x3FAC] =	sst s0  }
0x9: {  	[smem:$0x3FAD] =	sst s1  }
0xa: {  	[smem:$0x3FAE] =	sst s2  }
0xb: {  	[smem:$0x3FAF] =	sst s3  }
0xc: {  	[smem:$0x3FB0] =	sst s4  }
0xd: {  	[smem:$0x3FB1] =	sst s5  }
0xe: {  	[smem:$0x3FB2] =	sst s6  }
0xf: {  	[smem:$0x3FB3] =	sst s7  }
0x10: {  	[smem:$0x3FB4] =	sst s8  }
0x11: {  	[smem:$0x3FB5] =	sst s9;
	s0 =	simm.s32 @!p0 $0x0  }
0x12: {  	s1 =	sld [smem:$0x3F9B];
	s0 =	simm.s32 @p0 $0x1  }
0x13: {  	[smem:$0x3FB6] =	sst s0;
	s0 =	simm.s32 @!p1 $0x0  }
0x14: {  	s2 =	sld [smem:$0x3F9A];
	s0 =	simm.s32 @p1 $0x1  }
0x15: {  	[smem:$0x3FB7] =	sst s0;
	s0 =	simm.s32 @!p2 $0x0  }
0x16: {  	s3 =	sld [smem:$0x3FDB];
	s0 =	simm.s32 @p2 $0x1  }
0x17: {  	s4 =	simm.s32 $0x1BF5;
	[smem:$0x3FB9] =	sst s0  }
0x18: {  	s0 =	sld [smem:$0x3F9C];
	_ =	swait.ge [sflag:s4], $0x0  }
0x19: {  	s7 =	sld [smem:$0x3F9D]  }
0x1a: {  	s8 =	sadd.s32 $0xFFFFE003, lr  }
0x1b: {  	s9 =	sadd.s32 $0xFFFFFEF7, lr;
	s5 =	simm.s32 $0xFFFFFFFF;
	p2 =	slt.u32 s8, $0xFFFFF086  }
0x1c: {  	p1 =	slt.u32 s9, $0xF7A;
	s5 =	simm.s32 @!p2 $0x0  }
0x1d: {  	s5 =	simm.s32 @p1 $0x1;
	p0 =	seq.s32 s7, s2  }
0x1e: {  	s7 =	smul.u32 @!p0 $0xF7A, s2;
	p2 =	seq.s32 @!p0 s5, $0x0  }
0x1f: {  	s9 =	smul.u32 $0xF7A, s1;
	s8 =	simm.s32 @!p0 $0x1BF5;
	p2 =	por !p2, p0  }
0x20: {  	[sflag:s8] =	ssyncset.s32 @!p0 $0xFFFFF086;
	s6 =	sadd.s32 @!p0 s3, s7;
	s7 =	simm.s32 @!p0 $0x108  }
0x21: {  	s3 =	sadd.s32 s3, s9;
	s6 =	sadd.s32 @!p0 $0x88, s6;
	s7 =	simm.s32 @p2 $0x1082  }
0x22: {  	[simem:s7], [sflag:s8] =	dma.local @!p0 [hbm:s6], $0xF7A  }
0x23: {  	s9 =	sor.u32 $0xD0000000, s2;
	s6 =	simm.s32 $0x108;
	_ =	swait.ge @!p0 [sflag:s8], $0x0  }
0x24: {  	s3 =	sadd.s32 $0x88, s3;
	s6 =	simm.s32 @!p1 $0x1082;
	[sflag:s4] =	ssyncset.s32 $0xFFFFF086  }
0x25: {  	[simem:s6], [sflag:s4] =	dma.local [hbm:s3], $0xF7A  }
0x26: {  	[smem:$0x3F9D] =	sst s1;
	(tag) =	ssettag s2;
	_ =	strace s9  }
0x27: {  	s1 =	sld [smem:$0x3FAD]  }
0x28: {  	s2 =	sld [smem:$0x3FAE]  }
0x29: {  	s4 =	sld [smem:$0x3FB0]  }
0x2a: {  	p0 =	seq.s32 s5, $0x0;
	s5 =	sld [smem:$0x3FB1]  }
0x2b: {  	s6 =	sld [smem:$0x3FB2]  }
0x2c: {  	s7 =	sld [smem:$0x3FB3]  }
0x2d: {  	s3 =	simm.s32 $0x108;
	s8 =	sld [smem:$0x3FB4]  }
0x2e: {  	s3 =	simm.s32 @!p0 $0x1082;
	s9 =	sld [smem:$0x3FB5]  }
0x2f: {  	lr =	sadd.s32 s0, s3;
	s0 =	sld [smem:$0x3FAC]  }
0x30: {  	s3 =	sld [smem:$0x3FAF]  }
0x31: {  	[smem:$0x3FB8] =	sst s10  }
0x32: {  	s10 =	sld [smem:$0x3FB6];
	_ =	sdelay $0x3  }
0x33: {  	p0 =	seq.s32 s10, $0x1;
	s10 =	sld [smem:$0x3FB8];
	_ =	sdelay $0x3  }
0x34: {  	[smem:$0x3FB8] =	sst s10  }
0x35: {  	s10 =	sld [smem:$0x3FB7];
	_ =	sdelay $0x3  }
0x36: {  	p1 =	seq.s32 s10, $0x1;
	s10 =	sld [smem:$0x3FB8];
	_ =	sdelay $0x3  }
0x37: {  	[smem:$0x3FB8] =	sst s10  }
0x38: {  	s10 =	sld [smem:$0x3FB9]  }
0x39: {  	_ = 	snop;
	(pc) =	sbr.ind lr, $3  }
0x3a: {  	_ = 	snop  }
0x3b: {  	_ = 	snop  }
0x3c: {  	p2 =	seq.s32 s10, $0x1;
	s10 =	sld [smem:$0x3FB8]  }
0x3d: {  	_ =	shalt  }
0x3e: {  	_ =	shalt  }
0x3f: {  	_ =	shalt  }
0x40: {  	_ =	shalt  }
0x41: {  	_ =	shalt  }
0x42: {  	_ =	shalt  }
0x43: {  	_ =	shalt  }
0x44: {  	_ =	shalt  }
0x45: {  	_ =	shalt  }
0x46: {  	_ =	shalt  }
0x47: {  	_ =	shalt  }
0x48: {  	_ =	shalt  }
0x49: {  	_ =	shalt  }
0x4a: {  	_ =	shalt  }
0x4b: {  	_ =	shalt  }
0x4c: {  	_ =	shalt  }
0x4d: {  	_ =	shalt  }
0x4e: {  	_ =	shalt  }
0x4f: {  	_ =	shalt  }
0x50: {  	_ =	shalt  }
0x51: {  	_ =	shalt  }
0x52: {  	_ =	shalt  }
0x53: {  	_ =	shalt  }
0x54: {  	_ =	shalt  }
0x55: {  	_ =	shalt  }
0x56: {  	_ =	shalt  }
0x57: {  	_ =	shalt  }
0x58: {  	_ =	shalt  }
0x59: {  	_ =	shalt  }
0x5a: {  	_ =	shalt  }
0x5b: {  	_ =	shalt  }
0x5c: {  	_ =	shalt  }
0x5d: {  	_ =	shalt  }
0x5e: {  	_ =	shalt  }
0x5f: {  	_ =	shalt  }
0x60: {  	_ =	shalt  }
0x61: {  	_ =	shalt  }
0x62: {  	_ =	shalt  }
0x63: {  	_ =	shalt  }
0x64: {  	_ =	shalt  }
0x65: {  	_ =	shalt  }
0x66: {  	_ =	shalt  }
0x67: {  	_ =	shalt  }
0x68: {  	_ =	shalt  }
0x69: {  	_ =	shalt  }
0x6a: {  	_ =	shalt  }
0x6b: {  	_ =	shalt  }
0x6c: {  	_ =	shalt  }
0x6d: {  	_ =	shalt  }
0x6e: {  	_ =	shalt  }
0x6f: {  	_ =	shalt  }
0x70: {  	_ =	shalt  }
0x71: {  	_ =	shalt  }
0x72: {  	_ =	shalt  }
0x73: {  	_ =	shalt  }
0x74: {  	_ =	shalt  }
0x75: {  	_ =	shalt  }
0x76: {  	_ =	shalt  }
0x77: {  	_ =	shalt  }
0x78: {  	_ =	shalt  }
0x79: {  	_ =	shalt  }
0x7a: {  	_ =	shalt  }
0x7b: {  	_ =	shalt  }
0x7c: {  	_ =	shalt  }
0x7d: {  	_ =	shalt  }
0x7e: {  	_ =	shalt  }
0x7f: {  	_ =	shalt  }
0x80: {  	_ =	shalt  }
0x81: {  	_ =	shalt  }
0x82: {  	_ =	shalt  }
0x83: {  	_ =	shalt  }
0x84: {  	_ =	shalt  }
0x85: {  	_ =	shalt  }
0x86: {  	_ =	shalt  }
0x87: {  	_ =	shalt  }
.Lfunc_end0:
.L_simem_size_0:
called_computation.2_lowered:
.L_overlay_start_0:
0x88: {  	s2 =	sld [smem:$0x3FD9]  }
0x89: {  	s3 =	sld [smem:$0x3FFE];
	_ =	sdelay $0x1  }
0x8a: {  	s1 =	srdreg.scid  }
0x8b: {  	s0 =	sand.u32 $0x1, s1  }
0x8c: {  	s17 =	sshll.u32 s0, $0xA;
	s2 =	sadd.s32 s3, s2  }
0x8d: {  	s2 =	sadd.s32 s2, s17  }
0x8e: {  	[smem:$0x3FC4] =	sst s2  }
0x8f: {  	_ = 	snop  }
0x90: {  	s2 =	sld [smem:$0x3FD0];
	(tm) =	ssettm $0x1  }
0x91: {  	s18 =	sld [smem:$0x3FFB];
	_ =	sdelay $0x3  }
0x92: {  	_ =	strace s18  }
0x93: {  	s3 =	sld [smem:$0x3FFC];
	_ =	sdelay $0x3  }
0x94: {  	_ =	strace s3  }
0x95: {  	s3 =	sld [smem:$0x3FFD];
	_ =	sdelay $0x3  }
0x96: {  	_ =	strace s3  }
0x97: {  	_ =	strace $0x8FFFFFFF  }
0x98: {  	s19 =	sld [smem:$0x3FDB];
	_ =	sdelay $0x1  }
0x99: {  	s4 =	simm.s32 $_scs_section_size  }
0x9a: {  	s5 =	simm.s32 $_size__tile_overlayer_lowered;
	s6 =	simm.s32 $_tile_overlayer_lowered  }
0x9b: {  	s22 =	simm.s32 $0x1BFF;
	s21 =	sshll.u32 s6, $0x1;
	s3 =	sadd.s32 s4, s19  }
0x9c: {  	s7 =	simm.s32 $0x0;
	s20 =	sshll.u32 s5, $0x1;
	s5 =	sadd.s32 s21, s3  }
0x9d: {  	[timem:s7], [sflag:s22] =	dma.local [hbm:s5], s20  }
0x9e: {  	_ =	swait.ge [sflag:s22], s20  }
0x9f: {  	s4 =	ssub.s32 $0x0, s20;
	[sflag:s22] =	ssyncset.done $0x0  }
0xa0: {  	[sflag:s22] =	ssyncadd.s32 s4;
	_ =	sdelay $0x1  }
0xa1: {  	s23 =	simm.s32 $0x1B8B  }
0xa2: {  	_ =	swait.ge [sflag:s23], $0x1  }
0xa3: {  	[sflag:s23] =	ssyncset.done $0x0  }
0xa4: {  	s25 =	simm.s32 $0x1B8E;
	s24 =	sld [smem:$0x3FFE];
	[sflag:s23] =	ssyncadd.s32 $0xFFFFFFFF  }
0xa5: {  	s26 =	simm.s32 $execute0_lowered;
	[smem:$0x3FD2] =	sst s25  }
0xa6: {  	s5 =	sshll.u32 s26, $0x1;
	_ =	strace $0x8000004C;
	[dreg:$0x1] =	wrdreg $0xFFFFFFFF  }
0xa7: {  	s28 =	simm.s32 $_size_execute0_lowered;
	s3 =	sadd.s32 s3, s5;
	[dreg:$0x0] =	wrdreg $0x0  }
0xa8: {  	s5 =	sshll.u32 s28, $0x1;
	[dreg:$0x2] =	wrdreg s3  }
0xa9: {  	[dreg:$0x3] =	wrdreg s5  }
0xaa: {  	[dreg:$0x4] =	wrdreg $0xC0  }
0xab: {  	_ =	task [dreg:s7], $0x5FFFF  }
0xac: {  	[dreg:$0x1] =	wrdreg $0xFFFFFFFF  }
0xad: {  	[dreg:$0x0] =	wrdreg $0x60  }
0xae: {  	[dreg:$0x2] =	wrdreg s2  }
0xaf: {  	[dreg:$0x3] =	wrdreg s24  }
0xb0: {  	[dreg:$0x4] =	wrdreg $0xB7800  }
0xb1: {  	[dreg:$0x5] =	wrdreg $0x9  }
0xb2: {  	_ =	task.clear_ibuf [dreg:s7], $0x6FFFF;
	_ =	strace $0x9000004C  }
0xb3: {  	s29 =	simm.s32 $0x9;
	_ =	strace $0x8000004E  }
0xb4: {  	_ =	swait.ge [sflag:s29], $0x1  }
0xb5: {  	[sflag:s29] =	ssyncadd.s32 $0xFFFFFFFF  }
0xb6: {  	_ =	strace $0x9000004E  }
0xb7: {  	_ =	sfence  }
0xb8: {  	s30 =	sld [smem:$0x0];
	_ =	sdelay $0x2  }
0xb9: {  	s31 =	sshll.u32 s1, $0xD;
	s1 =	sshrl.u32 s1, $0x2  }
0xba: {  	s3 =	sand.u32 $0x4000, s31;
	s1 =	sadd.s32 s1, s30  }
0xbb: {  	s0 =	sor.u32 s3, s0;
	s1 =	sshll.u32 s1, $0x11  }
0xbc: {  	s0 =	sor.u32 s1, s0  }
0xbd: {  	s0 =	sadd.s32 $0x8F2B, s0  }
0xbe: {  	[sflag:s0] =	ssyncadd.remote.s32 $0x1  }
0xbf: {  	_ =	sfence.sel $0xFFFF  }
0xc0: {  	[dreg:$0x0] =	wrdreg $0xFFFFFFFF;
	(pc) =	sbr.abs _section_cstart, $3  }
0xc1: {  	[dreg:$0x1] =	wrdreg $0xFFFFFFFF  }
0xc2: {  	_ =	task.clear_ibuf [dreg:s7], $0x2FFFF;
	_ =	strace $0x9FFFFFFF  }
0xc3: {  	(tm) =	ssettm $0x7FFFFFFF  }
tec
execute0_lowered:
.L_overlay_start_1:
0x0: {  	(tag) =	ssettag $0x1  }
0x1: {  	s2 =	srdreg.scid;
	s1 =	rddreg [dreg:$0x0]  }
0x2: {  	s0 =	stileid.u32;
	s6 =	rddreg [dreg:$0x1]  }
0x3: {  	s3 =	rddreg [dreg:$0x2];
	s15 =	simm.s32 $0x50;
	s16 =	simm.s32 $0x6780  }
0x4: {  	s17 =	simm.s32 $0x8F80;
	s18 =	simm.s32 $0x1;
	s19 =	simm.s32 $0x2  }
0x5: {  	s20 =	simm.s32 $0x3;
	s21 =	simm.s32 $0x26C0;
	s22 =	simm.s32 $0x6580  }
0x6: {  	s23 =	simm.s32 $0x0;
	s5 =	sand.u32 $0x1, s2;
	s10 =	smul.u32 $0x14000, s0  }
0x7: {  	s26 =	sshll.u32 s0, $0x1;
	s28 =	sshrl.u32 s0, $0x2;
	s12 =	smul.u32 $0x50000, s0  }
0x8: {  	s2 =	rddreg [dreg:$0x3];
	s13 =	sshll.u32 s0, $0x6;
	s8 =	smul.u32 $0x13C00, s28  }
0x9: {  	s7 =	sor.u32 s5, s26;
	s29 =	smul.u32 $0x140000, s5;
	s30 =	ssub.s32 $0x2, s5  }
0xa: {  	s5 =	sadd.s32 $0xB800, s6;
	s13 =	sor.u32 $0x1C04, s13;
	s4 =	sshll.u32 s7, $0x7  }
0xb: {  	s7 =	sshll.u32 s7, $0xB;
	s11 =	sshrl.u32 s30, $0x1;
	s31 =	sshrl.u32 s12, $0x2  }
0xc: {  	s12 =	simm.s32 $0x4;
	s9 =	sand.u32 $0x380, s4;
	s4 =	simm.s32 $0x0  }
0xd: {  	s7 =	sadd.s32 s7, s6;
	s14 =	sadd.s32 s31, s3;
	s8 =	sor.u32 s8, s9  }
0xe: {  	[smem:$0x7FF] =	sst s4;
	s9 =	sadd.s32 s10, s29;
	s10 =	ssub.s32 s30, s11  }
0xf: {  	s7 =	sadd.s32 $0x15600, s7;
	s11 =	simm.s32 $0x400;
	s8 =	sshrl.u32 s8, $0x3  }
0x10: {  	s14 =	sshrl.u32 s14, $0x3;
	s9 =	sshrl.u32 s9, $0x3;
	s8 =	sadd.s32 s8, s6  }
0x11: {  	_ =	strace $0x8000004D;
	s9 =	sadd.s32 s9, s6;
	s6 =	sadd.s32 $0x1A00, s8  }
0x12: {  	s8 =	sadd.s32 $0x25600, s9;
	s9 =	smax.u32 s10, $0x1;
	s10 =	simm.s32 $0x80  }
.LBB2_1:
0x13: {  	[tilespmem:s4], [sflag:$0x4] =	stream.strided.gather [hbm4b:s6+s10], $0x2780, s11, s10, $0x38;
	[tilespmem:$0x1F780] =	vst v63  }
0x14: {  	_ =	swait.ge [sflag:s12], $0x2780  }
0x15: {  	[sflag:s12] =	ssyncset.done $0x0  }
0x16: {  	s24 =	simm.s32 $0x2780;
	[sflag:s12] =	ssyncadd.s32 $0xFFFFD880  }
0x17: {  	[tilespmem:s24], [sflag:$0x4] =	stream.linear.gather [hbm4b:s7+s4], $0x3E80, $0x38;
	[tilespmem:$0x1F780] =	vst v63  }
0x18: {  	_ =	swait.ge [sflag:s12], $0x3E80  }
0x19: {  	[sflag:s12] =	ssyncset.done $0x0  }
0x1a: {  	[sflag:s12] =	ssyncadd.s32 $0xFFFFC180  }
0x1b: {  	[spmem:s14], [sflag:s13] =	dma.local [hbm:s5], $0x2800  }
0x1c: {  	_ =	swait.ge [sflag:s12], $0x2800  }
0x1d: {  	[sflag:s12] =	ssyncset.done $0x0  }
0x1e: {  	[sflag:s12] =	ssyncadd.s32 $0xFFFFD800  }
0x1f: {  	s25 =	simm.s32 $0x0;
	[bflag:$0x0] =	sbarrier.arrive $0xFFFF  }
0x20: {  	[tilespmem:s16], [sflag:$0x1] =	stream.indirect.gather [hbm4b:s1+s15], $0x80, s25, s15, $0xb8;
	[tilespmem:$0x1F780] =	vst v63  }
0x21: {  	s30 =	simm.s32 $0x50  }
0x22: {  	[tilespmem:s17], [sflag:$0x2] =	stream.indirect.gather [hbm4b:s1+s15], $0x80, s30, s15, $0xb8;
	[tilespmem:$0x1F780] =	vst v63  }
0x23: {  	_ =	swait.ge [sflag:s18], $0x2800  }
0x24: {  	[sflag:s18] =	ssyncset.done $0x0  }
0x25: {  	[sflag:s18] =	ssyncadd.s32 $0xFFFFD800  }
0x26: {  	[spmem:s3] =	stream.indirect.scatter.add.f32 [tilespmem:s16], [sflag:$0x3], $0x80, s24, s15, $0xb8;
	[tilespmem:$0x1F780] =	vst v63  }
0x27: {  	_ =	swait.ge [sflag:s19], $0x2800  }
0x28: {  	[sflag:s19] =	ssyncset.done $0x0  }
0x29: {  	s31 =	simm.s32 $0x2800;
	[sflag:s19] =	ssyncadd.s32 $0xFFFFD800  }
0x2a: {  	[spmem:s3] =	stream.indirect.scatter.add.f32 [tilespmem:s17], [sflag:$0x4], $0x80, s31, s15, $0xb8;
	[tilespmem:$0x1F780] =	vst v63  }
0x2b: {  	_ =	swait.ge [sflag:s12], $0x2800  }
0x2c: {  	[sflag:s12] =	ssyncset.done $0x0  }
0x2d: {  	[sflag:s12] =	ssyncadd.s32 $0xFFFFD800  }
0x2e: {  	s26 =	simm.s32 $0x500;
	_ =	swait.ge [sflag:s20], $0x2800  }
0x2f: {  	s25 =	simm.s32 $0x280;
	s24 =	simm.s32 $0x2880;
	[sflag:s20] =	ssyncset.done $0x0  }
.LBB2_2:
0x30: {  	s28 =	sshra.s32 s25, $0x2  }
0x31: {  	[sflag:s20] =	ssyncadd.s32 $0xFFFFD800;
	s25 =	smov.u32 s26;
	s29 =	sadd.s32 $0x280, s26  }
0x32: {  	[tilespmem:s16], [sflag:$0x1] =	stream.indirect.gather [hbm4b:s1+s15], $0x80, s28, s15, $0xb8;
	[tilespmem:$0x1F780] =	vst v63  }
0x33: {  	p0 =	sne.s32 s26, $0x9880;
	s26 =	sadd.s32 $0x50, s28  }
0x34: {  	[tilespmem:s17], [sflag:$0x2] =	stream.indirect.gather [hbm4b:s1+s15], $0x80, s26, s15, $0xb8;
	[tilespmem:$0x1F780] =	vst v63  }
0x35: {  	_ =	swait.ge [sflag:s18], $0x2800  }
0x36: {  	[sflag:s18] =	ssyncset.done $0x0  }
0x37: {  	[sflag:s18] =	ssyncadd.s32 $0xFFFFD800  }
0x38: {  	[spmem:s3] =	stream.indirect.scatter.add.f32 [tilespmem:s16], [sflag:$0x3], $0x80, s24, s15, $0xb8;
	[tilespmem:$0x1F780] =	vst v63  }
0x39: {  	_ =	swait.ge [sflag:s19], $0x2800  }
0x3a: {  	[sflag:s19] =	ssyncset.done $0x0  }
0x3b: {  	s26 =	sadd.s32 $0x80, s24;
	[sflag:s19] =	ssyncadd.s32 $0xFFFFD800  }
0x3c: {  	[spmem:s3] =	stream.indirect.scatter.add.f32 [tilespmem:s17], [sflag:$0x4], $0x80, s26, s15, $0xb8;
	[tilespmem:$0x1F780] =	vst v63  }
.Ltmp0:
0x3d: {  	_ =	swait.ge [sflag:s12], $0x2800;
	(pc) =	sbr.rel @p0 .LBB2_2-.Ltmp0, $4  }
0x3e: {  	[sflag:s12] =	ssyncset.done $0x0  }
0x3f: {  	[sflag:s12] =	ssyncadd.s32 $0xFFFFD800  }
0x40: {  	_ =	swait.ge [sflag:s20], $0x2800  }
0x41: {  	s24 =	sadd.s32 $0x100, s24;
	s26 =	smov.u32 s29;
	[sflag:s20] =	ssyncset.done $0x0  }
0x42: {  	s25 =	sshra.s32 s25, $0x2;
	[sflag:s20] =	ssyncadd.s32 $0xFFFFD800  }
0x43: {  	[tilespmem:s16], [sflag:$0x1] =	stream.indirect.gather [hbm4b:s1+s15], $0x80, s25, s15, $0xb8;
	[tilespmem:$0x1F780] =	vst v63  }
0x44: {  	s25 =	sadd.s32 $0x50, s25  }
0x45: {  	[tilespmem:s17], [sflag:$0x2] =	stream.indirect.gather [hbm4b:s1+s15], $0x80, s25, s15, $0xb8;
	[tilespmem:$0x1F780] =	vst v63  }
0x46: {  	_ =	swait.ge [sflag:s18], $0x2800  }
0x47: {  	[sflag:s18] =	ssyncset.done $0x0  }
0x48: {  	[sflag:s18] =	ssyncadd.s32 $0xFFFFD800  }
0x49: {  	[spmem:s3] =	stream.indirect.scatter.add.f32 [tilespmem:s16], [sflag:$0x3], $0x80, s24, s15, $0xb8;
	[tilespmem:$0x1F780] =	vst v63  }
0x4a: {  	_ =	swait.ge [sflag:s19], $0x2800  }
0x4b: {  	[sflag:s19] =	ssyncset.done $0x0  }
0x4c: {  	s31 =	sadd.s32 $0x80, s24;
	[sflag:s19] =	ssyncadd.s32 $0xFFFFD800  }
0x4d: {  	[spmem:s3] =	stream.indirect.scatter.add.f32 [tilespmem:s17], [sflag:$0x4], $0x80, s31, s15, $0xb8;
	[tilespmem:$0x1F780] =	vst v63  }
0x4e: {  	_ =	swait.ge [sflag:s12], $0x2800  }
0x4f: {  	[sflag:s12] =	ssyncset.done $0x0  }
0x50: {  	[sflag:s12] =	ssyncadd.s32 $0xFFFFD800  }
0x51: {  	_ =	swait.ge [sflag:s20], $0x2800  }
0x52: {  	[sflag:s20] =	ssyncset.done $0x0  }
0x53: {  	[sflag:s20] =	ssyncadd.s32 $0xFFFFD800  }
0x54: {  	[tilespmem:s16], [sflag:$0x1] =	stream.indirect.gather [hbm4b:s1+s15], $0x80, s21, s15, $0xb8;
	[tilespmem:$0x1F780] =	vst v63  }
0x55: {  	_ =	swait.ge [sflag:s18], $0x2800  }
0x56: {  	[sflag:s18] =	ssyncset.done $0x0  }
0x57: {  	[sflag:s18] =	ssyncadd.s32 $0xFFFFD800  }
0x58: {  	[spmem:s3] =	stream.indirect.scatter.add.f32 [tilespmem:s16], [sflag:$0x4], $0x80, s22, s15, $0xb8;
	[tilespmem:$0x1F780] =	vst v63  }
0x59: {  	_ =	swait.ge [sflag:s12], $0x2800  }
0x5a: {  	s23 =	sadd.s32 $0x1, s23;
	[sflag:s12] =	ssyncset.done $0x0  }
0x5b: {  	p0 =	sne.s32 s23, s9;
	[sflag:s12] =	ssyncadd.s32 $0xFFFFD800  }
.Ltmp1:
0x5c: {  	[bflag:$0x0] =	sbarrier.arrive $0xFFFF;
	(pc) =	sbr.rel @p0 .LBB2_1-.Ltmp1, $4  }
0x5d: {  	[hbm:s8], [sflag:s13] =	dma.local [spmem:s14], $0x2800  }
0x5e: {  	_ =	swait.ge [sflag:s12], $0x2800  }
0x5f: {  	[sflag:s12] =	ssyncset.done $0x0  }
0x60: {  	[sflag:s12] =	ssyncadd.s32 $0xFFFFD800  }
0x61: {  	_ =	sfence.sel $0x180000  }
0x62: {  	[bflag:$0x0] =	sbarrier.arrive $0xFFFF  }
0x63: {  	p0 =	sne.s32 s0, $0x0;
	_ =	strace $0x9000004D  }
0x64: {  	s0 =	sadd.s32 @!p0 $0x100000, s2;
	[bflag:$0x2] =	sbarrier.arrive $0xFFFF  }
0x65: {  	[sflag:s0] =	ssyncadd.tile.s32 @!p0 $0x1;
	_ =	shalt  }
.Lfunc_end2:
_tile_overlayer_lowered:
.L_overlay_start_2:
0x66: {  	(tag) =	ssettag $0x2  }
0x67: {  	s0 =	rddreg [dreg:$0x0];
	s2 =	stileid.u32  }
0x68: {  	s1 =	rddreg [dreg:$0x1];
	p0 =	sne.s32 s2, $0x0  }
0x69: {  	s3 =	rddreg [dreg:$0x2];
	[bflag:$0x3] =	sbarrier.arrive $0xFFFF;
	s2 =	simm.s32 @!p0 $0x1C04  }
0x6a: {  	[timem:s3], [sflag:s2] =	dma.local @!p0 [hbm:s0], s1  }
0x6b: {  	s0 =	simm.s32 @!p0 $0x4  }
0x6c: {  	_ =	swait.ge @!p0 [sflag:s0], s1  }
0x6d: {  	s1 =	ssub.s32 @!p0 $0x0, s1;
	[sflag:s0] =	ssyncset.done @!p0 $0x0  }
0x6e: {  	[sflag:s0] =	ssyncadd.s32 @!p0 s1  }
0x6f: {  	[bflag:$0x3] =	sbarrier.arrive $0xFFFF  }
0x70: {  	_ =	shalt  }

// kernel: kernel.8.cloned.1.call-start
scs
__scs_entry_jumppad:
0x0: {  	(pc) =	sbr.rel $0x88, $3  }
0x1: {  	(tag) =	ssettag $0x0;
	lr =	simm.s32 $0x1  }
0x2: {  	[smem:$0x3F9D] =	sst lr;
	_ =	strace $0xD0000000  }
0x3: {  	_ = 	snop  }
0x4: {  	_ = 	snop  }
0x5: {  	_ = 	snop  }
0x6: {  	_ = 	snop  }
0x7: {  	_ = 	snop  }
__scs_overlays_trampoline_lowered:
0x8: {  	[smem:$0x3FAC] =	sst s0  }
0x9: {  	[smem:$0x3FAD] =	sst s1  }
0xa: {  	[smem:$0x3FAE] =	sst s2  }
0xb: {  	[smem:$0x3FAF] =	sst s3  }
0xc: {  	[smem:$0x3FB0] =	sst s4  }
0xd: {  	[smem:$0x3FB1] =	sst s5  }
0xe: {  	[smem:$0x3FB2] =	sst s6  }
0xf: {  	[smem:$0x3FB3] =	sst s7  }
0x10: {  	[smem:$0x3FB4] =	sst s8  }
0x11: {  	[smem:$0x3FB5] =	sst s9;
	s0 =	simm.s32 @!p0 $0x0  }
0x12: {  	s1 =	sld [smem:$0x3F9B];
	s0 =	simm.s32 @p0 $0x1  }
0x13: {  	[smem:$0x3FB6] =	sst s0;
	s0 =	simm.s32 @!p1 $0x0  }
0x14: {  	s2 =	sld [smem:$0x3F9A];
	s0 =	simm.s32 @p1 $0x1  }
0x15: {  	[smem:$0x3FB7] =	sst s0;
	s0 =	simm.s32 @!p2 $0x0  }
0x16: {  	s3 =	sld [smem:$0x3FDB];
	s0 =	simm.s32 @p2 $0x1  }
0x17: {  	s4 =	simm.s32 $0x1BF5;
	[smem:$0x3FB9] =	sst s0  }
0x18: {  	s0 =	sld [smem:$0x3F9C];
	_ =	swait.ge [sflag:s4], $0x0  }
0x19: {  	s7 =	sld [smem:$0x3F9D]  }
0x1a: {  	s8 =	sadd.s32 $0xFFFFE003, lr  }
0x1b: {  	s9 =	sadd.s32 $0xFFFFFEF7, lr;
	s5 =	simm.s32 $0xFFFFFFFF;
	p2 =	slt.u32 s8, $0xFFFFF086  }
0x1c: {  	p1 =	slt.u32 s9, $0xF7A;
	s5 =	simm.s32 @!p2 $0x0  }
0x1d: {  	s5 =	simm.s32 @p1 $0x1;
	p0 =	seq.s32 s7, s2  }
0x1e: {  	s7 =	smul.u32 @!p0 $0xF7A, s2;
	p2 =	seq.s32 @!p0 s5, $0x0  }
0x1f: {  	s9 =	smul.u32 $0xF7A, s1;
	s8 =	simm.s32 @!p0 $0x1BF5;
	p2 =	por !p2, p0  }
0x20: {  	[sflag:s8] =	ssyncset.s32 @!p0 $0xFFFFF086;
	s6 =	sadd.s32 @!p0 s3, s7;
	s7 =	simm.s32 @!p0 $0x108  }
0x21: {  	s3 =	sadd.s32 s3, s9;
	s6 =	sadd.s32 @!p0 $0x88, s6;
	s7 =	simm.s32 @p2 $0x1082  }
0x22: {  	[simem:s7], [sflag:s8] =	dma.local @!p0 [hbm:s6], $0xF7A  }
0x23: {  	s9 =	sor.u32 $0xD0000000, s2;
	s6 =	simm.s32 $0x108;
	_ =	swait.ge @!p0 [sflag:s8], $0x0  }
0x24: {  	s3 =	sadd.s32 $0x88, s3;
	s6 =	simm.s32 @!p1 $0x1082;
	[sflag:s4] =	ssyncset.s32 $0xFFFFF086  }
0x25: {  	[simem:s6], [sflag:s4] =	dma.local [hbm:s3], $0xF7A  }
0x26: {  	[smem:$0x3F9D] =	sst s1;
	(tag) =	ssettag s2;
	_ =	strace s9  }
0x27: {  	s1 =	sld [smem:$0x3FAD]  }
0x28: {  	s2 =	sld [smem:$0x3FAE]  }
0x29: {  	s4 =	sld [smem:$0x3FB0]  }
0x2a: {  	p0 =	seq.s32 s5, $0x0;
	s5 =	sld [smem:$0x3FB1]  }
0x2b: {  	s6 =	sld [smem:$0x3FB2]  }
0x2c: {  	s7 =	sld [smem:$0x3FB3]  }
0x2d: {  	s3 =	simm.s32 $0x108;
	s8 =	sld [smem:$0x3FB4]  }
0x2e: {  	s3 =	simm.s32 @!p0 $0x1082;
	s9 =	sld [smem:$0x3FB5]  }
0x2f: {  	lr =	sadd.s32 s0, s3;
	s0 =	sld [smem:$0x3FAC]  }
0x30: {  	s3 =	sld [smem:$0x3FAF]  }
0x31: {  	[smem:$0x3FB8] =	sst s10  }
0x32: {  	s10 =	sld [smem:$0x3FB6];
	_ =	sdelay $0x3  }
0x33: {  	p0 =	seq.s32 s10, $0x1;
	s10 =	sld [smem:$0x3FB8];
	_ =	sdelay $0x3  }
0x34: {  	[smem:$0x3FB8] =	sst s10  }
0x35: {  	s10 =	sld [smem:$0x3FB7];
	_ =	sdelay $0x3  }
0x36: {  	p1 =	seq.s32 s10, $0x1;
	s10 =	sld [smem:$0x3FB8];
	_ =	sdelay $0x3  }
0x37: {  	[smem:$0x3FB8] =	sst s10  }
0x38: {  	s10 =	sld [smem:$0x3FB9]  }
0x39: {  	_ = 	snop;
	(pc) =	sbr.ind lr, $3  }
0x3a: {  	_ = 	snop  }
0x3b: {  	_ = 	snop  }
0x3c: {  	p2 =	seq.s32 s10, $0x1;
	s10 =	sld [smem:$0x3FB8]  }
0x3d: {  	_ =	shalt  }
0x3e: {  	_ =	shalt  }
0x3f: {  	_ =	shalt  }
0x40: {  	_ =	shalt  }
0x41: {  	_ =	shalt  }
0x42: {  	_ =	shalt  }
0x43: {  	_ =	shalt  }
0x44: {  	_ =	shalt  }
0x45: {  	_ =	shalt  }
0x46: {  	_ =	shalt  }
0x47: {  	_ =	shalt  }
0x48: {  	_ =	shalt  }
0x49: {  	_ =	shalt  }
0x4a: {  	_ =	shalt  }
0x4b: {  	_ =	shalt  }
0x4c: {  	_ =	shalt  }
0x4d: {  	_ =	shalt  }
0x4e: {  	_ =	shalt  }
0x4f: {  	_ =	shalt  }
0x50: {  	_ =	shalt  }
0x51: {  	_ =	shalt  }
0x52: {  	_ =	shalt  }
0x53: {  	_ =	shalt  }
0x54: {  	_ =	shalt  }
0x55: {  	_ =	shalt  }
0x56: {  	_ =	shalt  }
0x57: {  	_ =	shalt  }
0x58: {  	_ =	shalt  }
0x59: {  	_ =	shalt  }
0x5a: {  	_ =	shalt  }
0x5b: {  	_ =	shalt  }
0x5c: {  	_ =	shalt  }
0x5d: {  	_ =	shalt  }
0x5e: {  	_ =	shalt  }
0x5f: {  	_ =	shalt  }
0x60: {  	_ =	shalt  }
0x61: {  	_ =	shalt  }
0x62: {  	_ =	shalt  }
0x63: {  	_ =	shalt  }
0x64: {  	_ =	shalt  }
0x65: {  	_ =	shalt  }
0x66: {  	_ =	shalt  }
0x67: {  	_ =	shalt  }
0x68: {  	_ =	shalt  }
0x69: {  	_ =	shalt  }
0x6a: {  	_ =	shalt  }
0x6b: {  	_ =	shalt  }
0x6c: {  	_ =	shalt  }
0x6d: {  	_ =	shalt  }
0x6e: {  	_ =	shalt  }
0x6f: {  	_ =	shalt  }
0x70: {  	_ =	shalt  }
0x71: {  	_ =	shalt  }
0x72: {  	_ =	shalt  }
0x73: {  	_ =	shalt  }
0x74: {  	_ =	shalt  }
0x75: {  	_ =	shalt  }
0x76: {  	_ =	shalt  }
0x77: {  	_ =	shalt  }
0x78: {  	_ =	shalt  }
0x79: {  	_ =	shalt  }
0x7a: {  	_ =	shalt  }
0x7b: {  	_ =	shalt  }
0x7c: {  	_ =	shalt  }
0x7d: {  	_ =	shalt  }
0x7e: {  	_ =	shalt  }
0x7f: {  	_ =	shalt  }
0x80: {  	_ =	shalt  }
0x81: {  	_ =	shalt  }
0x82: {  	_ =	shalt  }
0x83: {  	_ =	shalt  }
0x84: {  	_ =	shalt  }
0x85: {  	_ =	shalt  }
0x86: {  	_ =	shalt  }
0x87: {  	_ =	shalt  }
.Lfunc_end0:
.L_simem_size_0:
called_computation_lowered:
.L_overlay_start_0:
0x88: {  	s2 =	sld [smem:$0x3FD9]  }
0x89: {  	s3 =	sld [smem:$0x3FFE];
	_ =	sdelay $0x1  }
0x8a: {  	s1 =	srdreg.scid  }
0x8b: {  	s0 =	sand.u32 $0x1, s1  }
0x8c: {  	s17 =	sshll.u32 s0, $0xA;
	s2 =	sadd.s32 s3, s2  }
0x8d: {  	s2 =	sadd.s32 s2, s17  }
0x8e: {  	[smem:$0x3FC4] =	sst s2  }
0x8f: {  	_ = 	snop  }
0x90: {  	s2 =	sld [smem:$0x3FD0];
	(tm) =	ssettm $0x1  }
0x91: {  	s18 =	sld [smem:$0x3FFB];
	_ =	sdelay $0x3  }
0x92: {  	_ =	strace s18  }
0x93: {  	s3 =	sld [smem:$0x3FFC];
	_ =	sdelay $0x3  }
0x94: {  	_ =	strace s3  }
0x95: {  	s3 =	sld [smem:$0x3FFD];
	_ =	sdelay $0x3  }
0x96: {  	_ =	strace s3  }
0x97: {  	_ =	strace $0x8FFFFFFF  }
0x98: {  	s19 =	sld [smem:$0x3FDB];
	_ =	sdelay $0x1  }
0x99: {  	s4 =	simm.s32 $_scs_section_size  }
0x9a: {  	s5 =	simm.s32 $_size__tile_overlayer_lowered;
	s6 =	simm.s32 $_tile_overlayer_lowered  }
0x9b: {  	s22 =	simm.s32 $0x1BFF;
	s21 =	sshll.u32 s6, $0x1;
	s3 =	sadd.s32 s4, s19  }
0x9c: {  	s7 =	simm.s32 $0x0;
	s20 =	sshll.u32 s5, $0x1;
	s5 =	sadd.s32 s21, s3  }
0x9d: {  	[timem:s7], [sflag:s22] =	dma.local [hbm:s5], s20  }
0x9e: {  	_ =	swait.ge [sflag:s22], s20  }
0x9f: {  	s4 =	ssub.s32 $0x0, s20;
	[sflag:s22] =	ssyncset.done $0x0  }
0xa0: {  	[sflag:s22] =	ssyncadd.s32 s4;
	_ =	sdelay $0x1  }
0xa1: {  	s23 =	simm.s32 $0x1B8B  }
0xa2: {  	_ =	swait.ge [sflag:s23], $0x1  }
0xa3: {  	[sflag:s23] =	ssyncset.done $0x0  }
0xa4: {  	s25 =	simm.s32 $0x1B8E;
	s24 =	sld [smem:$0x3FFE];
	[sflag:s23] =	ssyncadd.s32 $0xFFFFFFFF  }
0xa5: {  	s26 =	simm.s32 $execute0_lowered;
	[smem:$0x3FD2] =	sst s25  }
0xa6: {  	s5 =	sshll.u32 s26, $0x1;
	_ =	strace $0x80000046;
	[dreg:$0x1] =	wrdreg $0xFFFFFFFF  }
0xa7: {  	s28 =	simm.s32 $_size_execute0_lowered;
	s3 =	sadd.s32 s3, s5;
	[dreg:$0x0] =	wrdreg $0x0  }
0xa8: {  	s5 =	sshll.u32 s28, $0x1;
	[dreg:$0x2] =	wrdreg s3  }
0xa9: {  	[dreg:$0x3] =	wrdreg s5  }
0xaa: {  	[dreg:$0x4] =	wrdreg $0xC0  }
0xab: {  	_ =	task [dreg:s7], $0x5FFFF  }
0xac: {  	[dreg:$0x1] =	wrdreg $0xFFFFFFFF  }
0xad: {  	[dreg:$0x0] =	wrdreg $0x60  }
0xae: {  	[dreg:$0x2] =	wrdreg s24  }
0xaf: {  	[dreg:$0x3] =	wrdreg s2  }
0xb0: {  	[dreg:$0x4] =	wrdreg $0x9  }
0xb1: {  	_ =	task.clear_ibuf [dreg:s7], $0x5FFFF;
	_ =	strace $0x90000046  }
0xb2: {  	s29 =	simm.s32 $0x9;
	_ =	strace $0x80000048  }
0xb3: {  	_ =	swait.ge [sflag:s29], $0x1  }
0xb4: {  	[sflag:s29] =	ssyncadd.s32 $0xFFFFFFFF  }
0xb5: {  	_ =	strace $0x90000048  }
0xb6: {  	_ =	sfence  }
0xb7: {  	s30 =	sld [smem:$0x0];
	_ =	sdelay $0x2  }
0xb8: {  	s31 =	sshll.u32 s1, $0xD;
	s1 =	sshrl.u32 s1, $0x2  }
0xb9: {  	s3 =	sand.u32 $0x4000, s31;
	s1 =	sadd.s32 s1, s30  }
0xba: {  	s0 =	sor.u32 s3, s0;
	s1 =	sshll.u32 s1, $0x11  }
0xbb: {  	s0 =	sor.u32 s1, s0  }
0xbc: {  	s0 =	sadd.s32 $0x8F2B, s0  }
0xbd: {  	[sflag:s0] =	ssyncadd.remote.s32 $0x1  }
0xbe: {  	_ =	sfence.sel $0xFFFF  }
0xbf: {  	[dreg:$0x0] =	wrdreg $0xFFFFFFFF;
	(pc) =	sbr.abs _section_cstart, $3  }
0xc0: {  	[dreg:$0x1] =	wrdreg $0xFFFFFFFF  }
0xc1: {  	_ =	task.clear_ibuf [dreg:s7], $0x2FFFF;
	_ =	strace $0x9FFFFFFF  }
0xc2: {  	(tm) =	ssettm $0x7FFFFFFF  }
0xc3: {  	_ =	shalt  }
tec
execute0_lowered:
.L_overlay_start_1:
0x0: {  	(tag) =	ssettag $0x1  }
0x1: {  	s3 =	rddreg [dreg:$0x0];
	s1 =	srdreg.scid  }
0x2: {  	s0 =	stileid.u32;
	s5 =	rddreg [dreg:$0x1];
	s9 =	simm.s32 $0x400  }
0x3: {  	s10 =	simm.s32 $0x1;
	s11 =	simm.s32 $0x2780;
	s12 =	simm.s32 $0x4F00  }
0x4: {  	s13 =	simm.s32 $0x7700;
	s4 =	sand.u32 $0x1, s1;
	s2 =	sshll.u32 s0, $0x1  }
0x5: {  	s14 =	simm.s32 $0x0;
	s7 =	sshrl.u32 s0, $0x2;
	s6 =	sor.u32 s4, s2  }
0x6: {  	s1 =	rddreg [dreg:$0x2];
	s7 =	smul.u32 $0x13C00, s7;
	s8 =	sshll.u32 s6, $0x7  }
0x7: {  	s2 =	simm.s32 $0x0;
	s6 =	smul.u32 $0x2800, s6;
	s8 =	sand.u32 $0x380, s8  }
0x8: {  	s4 =	ssub.s32 $0x2, s4;
	[smem:$0x7FF] =	sst s2;
	s7 =	sor.u32 s7, s8  }
0x9: {  	s31 =	sshrl.u32 s4, $0x1;
	s6 =	sshrl.u32 s6, $0x3;
	s7 =	sshrl.u32 s7, $0x3  }
0xa: {  	_ =	strace $0x80000047;
	s5 =	sadd.s32 s5, s6;
	s7 =	sadd.s32 s7, s3  }
0xb: {  	s8 =	ssub.s32 s4, s31;
	s6 =	sadd.s32 $0xA000, s5;
	s3 =	sadd.s32 $0x1A00, s7  }
0xc: {  	v0 =	vimm.f32 $0.0e+00;
	v1 =	vimm.f32 $1.000000000e+00;
	s4 =	sadd.s32 $0xB800, s7;
	s7 =	smax.u32 s8, $0x1;
	s8 =	simm.s32 $0x80  }
.LBB2_1:
0xd: {  	[tilespmem:s2], [sflag:$0x1] =	stream.strided.gather [hbm4b:s3+s8], $0x2780, s9, s8, $0x38;
	[tilespmem:$0x9F00] =	vst v63  }
0xe: {  	_ =	swait.ge [sflag:s10], $0x2780  }
0xf: {  	[sflag:s10] =	ssyncset.done $0x0  }
0x10: {  	[sflag:s10] =	ssyncadd.s32 $0xFFFFD880  }
0x11: {  	[tilespmem:s11], [sflag:$0x1] =	stream.strided.gather [hbm4b:s4+s8], $0x2780, s9, s8, $0x38;
	[tilespmem:$0x9F00] =	vst v63  }
0x12: {  	_ =	swait.ge [sflag:s10], $0x2780  }
0x13: {  	[sflag:s10] =	ssyncset.done $0x0  }
0x14: {  	s15 =	simm.s32 $0x0;
	s16 =	simm.s32 $0x200;
	[sflag:s10] =	ssyncadd.s32 $0xFFFFD880  }
.LBB2_2:
0x15: {  	p0 =	sne.s32 s16, $0x9E00;
	[tilespmem:s15+$0x7770] =	vst v0  }
0x16: {  	[tilespmem:s15+$0x4F00] =	vst v0  }
0x17: {  	[tilespmem:s15+$0x7700] =	vst v0  }
0x18: {  	[tilespmem:s15+$0x4F10] =	vst v0  }
0x19: {  	[tilespmem:s15+$0x7710] =	vst v0  }
0x1a: {  	[tilespmem:s15+$0x4F20] =	vst v0  }
0x1b: {  	[tilespmem:s15+$0x7720] =	vst v0  }
0x1c: {  	[tilespmem:s15+$0x4F30] =	vst v0  }
0x1d: {  	[tilespmem:s15+$0x7730] =	vst v0  }
0x1e: {  	[tilespmem:s15+$0x4F40] =	vst v0  }
0x1f: {  	[tilespmem:s15+$0x7740] =	vst v0  }
.Ltmp0:
0x20: {  	[tilespmem:s15+$0x4F50] =	vst v0;
	(pc) =	sbr.rel @p0 .LBB2_2-.Ltmp0, $4  }
0x21: {  	[tilespmem:s15+$0x7750] =	vst v0  }
0x22: {  	[tilespmem:s15+$0x4F60] =	vst v0  }
0x23: {  	[tilespmem:s15+$0x7760] =	vst v0  }
0x24: {  	[tilespmem:s15+$0x4F70] =	vst v0;
	s15 =	sshra.s32 s16, $0x2;
	s16 =	sadd.s32 $0x200, s16  }
0x25: {  	[tilespmem:s15+$0x7770] =	vst v0  }
0x26: {  	[tilespmem:s15+$0x4F00] =	vst v0  }
0x27: {  	[tilespmem:s15+$0x7700] =	vst v0  }
0x28: {  	[tilespmem:s15+$0x4F10] =	vst v0  }
0x29: {  	[tilespmem:s15+$0x7710] =	vst v0  }
0x2a: {  	[tilespmem:s15+$0x4F20] =	vst v0  }
0x2b: {  	[tilespmem:s15+$0x7720] =	vst v0  }
0x2c: {  	[tilespmem:s15+$0x4F30] =	vst v0  }
0x2d: {  	[tilespmem:s15+$0x7730] =	vst v0  }
0x2e: {  	[tilespmem:s15+$0x4F40] =	vst v0  }
0x2f: {  	[tilespmem:s15+$0x7740] =	vst v0  }
0x30: {  	[tilespmem:s15+$0x4F50] =	vst v0  }
0x31: {  	[tilespmem:s15+$0x7750] =	vst v0  }
0x32: {  	[tilespmem:s15+$0x4F60] =	vst v0  }
0x33: {  	[tilespmem:s15+$0x7760] =	vst v0  }
0x34: {  	[tilespmem:s15+$0x4F70] =	vst v0;
	s16 =	simm.s32 $0x0;
	s15 =	simm.s32 $0x40  }
.LBB2_4:
0x35: {  	p0 =	sne.s32 s15, $0x9C00;
	v2 =	vld [tilespmem:s16+$0x0];
	_ =	sdelay $0x7  }
0x36: {  	[tilespmem:v2+s12+$0x0] =	vst.idx.add.f32.msk $0xffff, v1  }
0x37: {  	v2 =	vld [tilespmem:s16+$0x2780];
	_ =	sdelay $0x3  }
.Ltmp1:
0x38: {  	(pc) =	sbr.rel @p0 .LBB2_4-.Ltmp1, $2  }
0x39: {  	_ =	sdelay $0x2  }
0x3a: {  	s16 =	sshra.s32 s15, $0x2;
	s15 =	sadd.s32 $0x40, s15;
	[tilespmem:v2+s13+$0x0] =	vst.idx.add.f32.msk $0xffff, v1  }
0x3b: {  	v2 =	vld [tilespmem:s16+$0x0];
	_ =	sdelay $0x7  }
0x3c: {  	[tilespmem:v2+s12+$0x0] =	vst.idx.add.f32.msk $0xffff, v1  }
0x3d: {  	v2 =	vld [tilespmem:s16+$0x2780];
	_ =	sdelay $0x7  }
0x3e: {  	[tilespmem:v2+s13+$0x0] =	vst.idx.add.f32.msk $0xffff, v1  }
0x3f: {  	[hbm4b:s5+s2] =	stream.linear.scatter [tilespmem:s12], [sflag:$0x1], $0x2800, $0x38;
	[tilespmem:$0x9F00] =	vst v63  }
0x40: {  	s14 =	sadd.s32 $0x1, s14;
	_ =	swait.ge [sflag:s10], $0x2800  }
0x41: {  	p0 =	sne.s32 s14, s7;
	[sflag:s10] =	ssyncset.done $0x0  }
.Ltmp2:
0x42: {  	[sflag:s10] =	ssyncadd.s32 $0xFFFFD800;
	(pc) =	sbr.rel @p0 .LBB2_1-.Ltmp2, $4  }
0x43: {  	[hbm4b:s6+s2] =	stream.linear.scatter [tilespmem:s13], [sflag:$0x1], $0x2800, $0x38;
	[tilespmem:$0x9F00] =	vst v63  }
0x44: {  	_ =	swait.ge [sflag:s10], $0x2800  }
0x45: {  	[sflag:s10] =	ssyncset.done $0x0  }
0x46: {  	[sflag:s10] =	ssyncadd.s32 $0xFFFFD800  }
0x47: {  	_ =	sfence.sel $0x180000  }
0x48: {  	[bflag:$0x0] =	sbarrier.arrive $0xFFFF  }
0x49: {  	p0 =	sne.s32 s0, $0x0;
	_ =	strace $0x90000047  }
0x4a: {  	s0 =	sadd.s32 @!p0 $0x100000, s1;
	[bflag:$0x2] =	sbarrier.arrive $0xFFFF  }
0x4b: {  	[sflag:s0] =	ssyncadd.tile.s32 @!p0 $0x1;
	_ =	shalt  }
.Lfunc_end2:
_tile_overlayer_lowered:
.L_overlay_start_2:
0x4c: {  	(tag) =	ssettag $0x2  }
0x4d: {  	s0 =	rddreg [dreg:$0x0];
	s2 =	stileid.u32  }
0x4e: {  	s1 =	rddreg [dreg:$0x1];
	p0 =	sne.s32 s2, $0x0  }
0x4f: {  	s3 =	rddreg [dreg:$0x2];
	[bflag:$0x3] =	sbarrier.arrive $0xFFFF;
	s2 =	simm.s32 @!p0 $0x1C01  }
0x50: {  	[timem:s3], [sflag:s2] =	dma.local @!p0 [hbm:s0], s1  }
0x51: {  	s0 =	simm.s32 @!p0 $0x1  }
0x52: {  	_ =	swait.ge @!p0 [sflag:s0], s1  }
0x53: {  	s1 =	ssub.s32 @!p0 $0x0, s1;
	[sflag:s0] =	ssyncset.done @!p0 $0x0  }
0x54: {  	[sflag:s0] =	ssyncadd.s32 @!p0 s1  }
0x55: {  	[bflag:$0x3] =	sbarrier.arrive $0xFFFF  }
0x56: {  	_ =	shalt  }

</sc_bundles>
